<compile_context>
chip_gen: v7x
topology: tpu7x:2x2x1
jax: 0.10.2.dev20260603
libtpu: 0.0.44.dev20260713+nightly
codegen_flags: <defaults>
</compile_context>

<pallas_src>
import functools

import jax
import jax.numpy as jnp
from jax import lax
from jax.experimental import pallas as pl
from jax.experimental.pallas import tpu as pltpu
from jax.experimental.pallas import tpu_sc as plsc

N = 8192
D = 32
K = 16
L = 16
NC = 2
NS = 16
NW = NC * NS
QPW = N // NW
NCHUNK = N // L
CAND_CAP = 1024

_INF = float("inf")


def _sc_knn_body(cx_hbm, cy_hbm, cz_hbm, outx_hbm, outy_hbm, outz_hbm,
                 xs, ys, zs, dbuf, cand_d2, cand_idx, stgx, stgy, stgz):
    wid = lax.axis_index("s") * NC + lax.axis_index("c")
    base = wid * QPW

    pltpu.sync_copy(cx_hbm, xs)
    pltpu.sync_copy(cy_hbm, ys)
    pltpu.sync_copy(cz_hbm, zs)

    iota = lax.iota(jnp.int32, L)

    def per_query(qi, _):
        q = base + qi
        qvec = jnp.full((L,), q, dtype=jnp.int32)
        qx = plsc.load_gather(xs, [qvec])
        qy = plsc.load_gather(ys, [qvec])
        qz = plsc.load_gather(zs, [qvec])

        def pass_a(c, minv):
            off = c * L
            rx = xs[pl.ds(off, L)] - qx
            ry = ys[pl.ds(off, L)] - qy
            rz = zs[pl.ds(off, L)] - qz
            d2 = rx * rx + ry * ry + rz * rz
            dbuf[pl.ds(off, L)] = d2
            return jnp.minimum(minv, d2)

        minv = lax.fori_loop(0, NCHUNK, pass_a, jnp.full((L,), _INF))
        thresh = jnp.max(minv)

        def pass_b(c, cursor):
            off = c * L
            d2 = dbuf[pl.ds(off, L)]
            m = d2 <= thresh
            plsc.store_compressed(cand_d2.at[pl.ds(cursor, L)], d2, mask=m)
            plsc.store_compressed(cand_idx.at[pl.ds(cursor, L)], iota + off,
                                  mask=m)
            cnt = jnp.max(plsc.all_reduce_population_count(m))
            return jnp.minimum(cursor + cnt, CAND_CAP - L)

        cursor = lax.fori_loop(0, NCHUNK, pass_b, jnp.int32(0))
        cand_d2[pl.ds(cursor, L)] = jnp.full((L,), _INF)
        cand_idx[pl.ds(cursor, L)] = qvec

        def pass_c(j, carry):
            rv, ri = carry
            sv = cand_d2[pl.ds(j * L, L)]
            si = cand_idx[pl.ds(j * L, L)]
            sv, si = plsc.sort_key_val(sv, si)
            rb = lax.rev(sv, (0,))
            rbi = lax.rev(si, (0,))
            take = rv <= rb
            mv = jnp.where(take, rv, rb)
            mi = jnp.where(take, ri, rbi)
            return tuple(plsc.sort_key_val(mv, mi))

        nch = (cursor + L - 1) // L
        rv0 = jnp.full((L,), _INF)
        ri0 = jnp.zeros((L,), jnp.int32)
        _, ri = lax.fori_loop(0, nch, pass_c, (rv0, ri0))

        stgx[pl.ds(qi * L, L)] = plsc.load_gather(xs, [ri])
        stgy[pl.ds(qi * L, L)] = plsc.load_gather(ys, [ri])
        stgz[pl.ds(qi * L, L)] = plsc.load_gather(zs, [ri])
        return 0

    lax.fori_loop(0, QPW, per_query, 0)

    row = base * L
    pltpu.sync_copy(stgx, outx_hbm.at[pl.ds(row, QPW * L)])
    pltpu.sync_copy(stgy, outy_hbm.at[pl.ds(row, QPW * L)])
    pltpu.sync_copy(stgz, outz_hbm.at[pl.ds(row, QPW * L)])


_sc_knn = pl.kernel(
    _sc_knn_body,
    out_type=[jax.ShapeDtypeStruct((N * K,), jnp.float32)] * 3,
    mesh=plsc.VectorSubcoreMesh(core_axis_name="c", subcore_axis_name="s"),
    compiler_params=pltpu.CompilerParams(needs_layout_passes=False),
    scratch_types=[
        pltpu.VMEM((N,), jnp.float32),
        pltpu.VMEM((N,), jnp.float32),
        pltpu.VMEM((N,), jnp.float32),
        pltpu.VMEM((N,), jnp.float32),
        pltpu.VMEM((CAND_CAP,), jnp.float32),
        pltpu.VMEM((CAND_CAP,), jnp.int32),
        pltpu.VMEM((QPW * L,), jnp.float32),
        pltpu.VMEM((QPW * L,), jnp.float32),
        pltpu.VMEM((QPW * L,), jnp.float32),
    ],
)


BQ = 512


def _tc_body(coords_ref, feat_ref, nx_ref, ny_ref, nz_ref, w_ref, b_ref,
             out_ref):
    nx = nx_ref[...]
    ny = ny_ref[...]
    nz = nz_ref[...]
    ox = coords_ref[:, 0:1]
    oy = coords_ref[:, 1:2]
    oz = coords_ref[:, 2:3]
    rx = ox - nx
    ry = oy - ny
    rz = oz - nz
    sq = rx * rx + ry * ry + rz * rz
    safe = jnp.where(sq > 0, sq, 1.0)
    dist = jnp.where(sq > 0, jnp.sqrt(safe), 0.0)

    oxb = jnp.broadcast_to(ox, (BQ, K))
    oyb = jnp.broadcast_to(oy, (BQ, K))
    ozb = jnp.broadcast_to(oz, (BQ, K))
    feats = (oxb, oyb, ozb, nx, ny, nz, rx, ry, rz, dist)
    mlp = jnp.broadcast_to(b_ref[0, :][None, None, :], (BQ, K, D // 2))
    for f, x in enumerate(feats):
        mlp = mlp + x[:, :, None] * w_ref[f, :][None, None, :]
    gathered = jnp.broadcast_to(feat_ref[...][:, None, :], (BQ, K, D))
    out_ref[...] = jnp.concatenate([mlp, gathered], axis=-1)


_tc_assemble = pl.pallas_call(
    _tc_body,
    grid=(N // BQ,),
    in_specs=[
        pl.BlockSpec((BQ, 3), lambda i: (i, 0)),
        pl.BlockSpec((BQ, D), lambda i: (i, 0)),
        pl.BlockSpec((BQ, K), lambda i: (i, 0)),
        pl.BlockSpec((BQ, K), lambda i: (i, 0)),
        pl.BlockSpec((BQ, K), lambda i: (i, 0)),
        pl.BlockSpec((10, D // 2), lambda i: (0, 0)),
        pl.BlockSpec((1, D // 2), lambda i: (0, 0)),
    ],
    out_specs=pl.BlockSpec((BQ, K, 3 * D // 2), lambda i: (i, 0, 0)),
    out_shape=jax.ShapeDtypeStruct((N, K, 3 * D // 2), jnp.float32),
)


def kernel(coords, features, W, b):
    coords_t = coords.T.reshape(3, N)
    nbx, nby, nbz = _sc_knn(coords_t[0], coords_t[1], coords_t[2])
    out = _tc_assemble(coords, features,
                       nbx.reshape(N, K), nby.reshape(N, K),
                       nbz.reshape(N, K), W, b.reshape(1, D // 2))
    return out

# --- scband reference (transcript-rebuilt; emitter-appended) ---
"""Pipeline reference for scband-local-spatial-encoding-82085414961510 (READ-ONLY COPY).

The authoritative reference and input builder live on the scoring server;
editing this copy changes nothing except your own understanding.
"""

import jax, jax.numpy as jnp
import numpy as np

N = 8192
D = 32
K = 16


def knn(query, ref, k):
    # brute-force k-nearest-neighbors via pairwise squared distances
    d2 = (jnp.sum(query ** 2, axis=1, keepdims=True)
          - 2.0 * query @ ref.T
          + jnp.sum(ref ** 2, axis=1)[None, :])
    _, idx = jax.lax.top_k(-d2, k)  # (Nq, k) nearest reference indices
    original_idx = jnp.repeat(jnp.arange(query.shape[0]), k)  # (Nq*k,)
    neighbor_idx = idx.reshape(-1)  # (Nq*k,)
    return original_idx, neighbor_idx


def setup_inputs(seed: int = 0) -> dict:
    key = jax.random.key(seed)
    k1, k2, k3 = jax.random.split(key, 3)
    coords = jax.random.uniform(k1, (N, 3), dtype=jnp.float32)
    features = jax.random.normal(k2, (N, D), dtype=jnp.float32)
    # SharedMLP(10, d//2) interpreted as pointwise (1x1-conv) linear: 10 -> D//2
    W = jax.random.normal(k3, (10, D // 2), dtype=jnp.float32) * 0.1
    b = jnp.zeros((D // 2,), dtype=jnp.float32)
    return {"coords": coords, "features": features, "W": W, "b": b}


def reference(coords, features, W, b):
    original_idx, neighbor_idx = knn(coords, coords, K)
    original = coords[original_idx]          # (N*K, 3) gather
    neighbor = coords[neighbor_idx]          # (N*K, 3) gather
    relative = original - neighbor           # (N*K, 3)
    sq = jnp.sum(relative ** 2, axis=-1)
    safe = jnp.where(sq > 0, sq, 1.0)
    distance = jnp.where(sq > 0, jnp.sqrt(safe), 0.0)[:, None]  # (N*K, 1)
    concat = jnp.concatenate((original, neighbor, relative, distance), axis=-1)  # (N*K, 10)
    mlp_out = concat @ W + b                 # pointwise SharedMLP (no bn, no activation)
    gathered = features[original_idx]        # (N*K, D) gather
    out = jnp.concatenate((mlp_out, gathered), axis=-1)  # (N*K, D//2 + D)
    return out.reshape(coords.shape[0], K, -1)  # (N, K, 3*D//2)

if __name__ == "__main__":
    import jax
    _d = setup_inputs()
    print(jax.jit(kernel)(*tuple(_d.values())))

</pallas_src>

<mosaic_0001>
#map = affine_map<(d0, d1) -> (0)>
module attributes {stable_mosaic.version = 14 : i64} {
  func.func @_sc_knn_body(%arg0: i32, %arg1: i32, %arg2: memref<8192xf32, #tpu.memory_space<hbm>>, %arg3: memref<8192xf32, #tpu.memory_space<hbm>>, %arg4: memref<8192xf32, #tpu.memory_space<hbm>>, %arg5: memref<131072xf32, #tpu.memory_space<hbm>>, %arg6: memref<131072xf32, #tpu.memory_space<hbm>>, %arg7: memref<131072xf32, #tpu.memory_space<hbm>>, %arg8: memref<8192xf32, #tpu.memory_space<vmem>>, %arg9: memref<8192xf32, #tpu.memory_space<vmem>>, %arg10: memref<8192xf32, #tpu.memory_space<vmem>>, %arg11: memref<8192xf32, #tpu.memory_space<vmem>>, %arg12: memref<1024xf32, #tpu.memory_space<vmem>>, %arg13: memref<1024xi32, #tpu.memory_space<vmem>>, %arg14: memref<4096xf32, #tpu.memory_space<vmem>>, %arg15: memref<4096xf32, #tpu.memory_space<vmem>>, %arg16: memref<4096xf32, #tpu.memory_space<vmem>>) attributes {dimension_semantics = [#tpu.dimension_semantics<core_parallel>, #tpu.dimension_semantics<subcore_parallel>], iteration_bounds = array<i64: 2, 16>, scalar_prefetch = 0 : i64, scratch_operands = 9 : i64, tpu.core_type = #tpu.core_type<sc_vector_subcore>, window_params = [{transform_indices = #map}, {transform_indices = #map}, {transform_indices = #map}, {transform_indices = #map}, {transform_indices = #map}, {transform_indices = #map}]} {
    %mul3A = arith.constant 2 : i32
    %mul3A_0 = arith.muli %arg1, %mul3A : i32
    %add3A = arith.addi %mul3A_0, %arg0 : i32
    %mul3A_1 = arith.constant 256 : i32
    %mul3A_2 = arith.muli %add3A, %mul3A_1 : i32
    "tpu.region"() ({
      %run_scoped3A = tpu.sem_alloc : memref<!tpu.dma_semaphore, #tpu.memory_space<semaphore_mem>>
      tpu.enqueue_dma source(%arg2 : memref<8192xf32, #tpu.memory_space<hbm>>) target(%arg8 : memref<8192xf32, #tpu.memory_space<vmem>>) target_semaphore(%run_scoped3A : memref<!tpu.dma_semaphore, #tpu.memory_space<semaphore_mem>>)
      tpu.wait_dma2 semaphore(%run_scoped3A : memref<!tpu.dma_semaphore, #tpu.memory_space<semaphore_mem>>) src(%arg2 : memref<8192xf32, #tpu.memory_space<hbm>>) dst(%arg8 : memref<8192xf32, #tpu.memory_space<vmem>>)
      tpu.yield
    }) : () -> ()
    "tpu.region"() ({
      %run_scoped3A = tpu.sem_alloc : memref<!tpu.dma_semaphore, #tpu.memory_space<semaphore_mem>>
      tpu.enqueue_dma source(%arg3 : memref<8192xf32, #tpu.memory_space<hbm>>) target(%arg9 : memref<8192xf32, #tpu.memory_space<vmem>>) target_semaphore(%run_scoped3A : memref<!tpu.dma_semaphore, #tpu.memory_space<semaphore_mem>>)
      tpu.wait_dma2 semaphore(%run_scoped3A : memref<!tpu.dma_semaphore, #tpu.memory_space<semaphore_mem>>) src(%arg3 : memref<8192xf32, #tpu.memory_space<hbm>>) dst(%arg9 : memref<8192xf32, #tpu.memory_space<vmem>>)
      tpu.yield
    }) : () -> ()
    "tpu.region"() ({
      %run_scoped3A = tpu.sem_alloc : memref<!tpu.dma_semaphore, #tpu.memory_space<semaphore_mem>>
      tpu.enqueue_dma source(%arg4 : memref<8192xf32, #tpu.memory_space<hbm>>) target(%arg10 : memref<8192xf32, #tpu.memory_space<vmem>>) target_semaphore(%run_scoped3A : memref<!tpu.dma_semaphore, #tpu.memory_space<semaphore_mem>>)
      tpu.wait_dma2 semaphore(%run_scoped3A : memref<!tpu.dma_semaphore, #tpu.memory_space<semaphore_mem>>) src(%arg4 : memref<8192xf32, #tpu.memory_space<hbm>>) dst(%arg10 : memref<8192xf32, #tpu.memory_space<vmem>>)
      tpu.yield
    }) : () -> ()
    %iota3A = tpu.iota {dimensions = array<i32: 0>} : vector<16xi32>
    %scan3A = arith.constant 0 : i32
    %scan3A_3 = arith.constant 0 : i32
    %scan3A_4 = arith.constant 256 : i32
    %scan3A_5 = arith.addi %scan3A_3, %scan3A_4 : i32
    %scan3A_6 = arith.constant 1 : i32
    %scan3A_7 = scf.for %scan3A_11 = %scan3A_3 to %scan3A_5 step %scan3A_6 iter_args(%scan3A_12 = %scan3A) -> (i32)  : i32 {
      %add3A_13 = arith.addi %mul3A_2, %scan3A_11 : i32
      %broadcast_in_dim3A = vector.broadcast %add3A_13 : i32 to vector<16xi32>
      %gather3A = tpu.vector_load_idx %arg8[%broadcast_in_dim3A] : memref<8192xf32, #tpu.memory_space<vmem>>[vector<16xi32>], vector<16xf32>,
      %gather3A_14 = tpu.vector_load_idx %arg9[%broadcast_in_dim3A] : memref<8192xf32, #tpu.memory_space<vmem>>[vector<16xi32>], vector<16xf32>,
      %gather3A_15 = tpu.vector_load_idx %arg10[%broadcast_in_dim3A] : memref<8192xf32, #tpu.memory_space<vmem>>[vector<16xi32>], vector<16xf32>,
      %broadcast_in_dim3A_16 = arith.constant 0x7F800000 : f32
      %broadcast_in_dim3A_17 = vector.broadcast %broadcast_in_dim3A_16 : f32 to vector<16xf32>
      %scan3A_18 = arith.constant 0 : i32
      %scan3A_19 = arith.constant 512 : i32
      %scan3A_20 = arith.addi %scan3A_18, %scan3A_19 : i32
      %scan3A_21 = arith.constant 1 : i32
      %scan3A_22 = scf.for %scan3A_89 = %scan3A_18 to %scan3A_20 step %scan3A_21 iter_args(%scan3A_90 = %broadcast_in_dim3A_17) -> (vector<16xf32>)  : i32 {
        %mul3A_91 = arith.constant 16 : i32
        %mul3A_92 = arith.muli %scan3A_89, %mul3A_91 : i32
        %get3A = arith.index_cast %mul3A_92 : i32 to index
        %get3A_93 = tpu.vector_load %arg8[%get3A] {strides = array<i32>} : memref<8192xf32, #tpu.memory_space<vmem>>, vector<16xf32>,
        %sub3A_94 = arith.subf %get3A_93, %gather3A : vector<16xf32>
        %get3A_95 = arith.index_cast %mul3A_92 : i32 to index
        %get3A_96 = tpu.vector_load %arg9[%get3A_95] {strides = array<i32>} : memref<8192xf32, #tpu.memory_space<vmem>>, vector<16xf32>,
        %sub3A_97 = arith.subf %get3A_96, %gather3A_14 : vector<16xf32>
        %get3A_98 = arith.index_cast %mul3A_92 : i32 to index
        %get3A_99 = tpu.vector_load %arg10[%get3A_98] {strides = array<i32>} : memref<8192xf32, #tpu.memory_space<vmem>>, vector<16xf32>,
        %sub3A_100 = arith.subf %get3A_99, %gather3A_15 : vector<16xf32>
        %mul3A_101 = arith.mulf %sub3A_94, %sub3A_94 : vector<16xf32>
        %mul3A_102 = arith.mulf %sub3A_97, %sub3A_97 : vector<16xf32>
        %add3A_103 = arith.addf %mul3A_101, %mul3A_102 : vector<16xf32>
        %mul3A_104 = arith.mulf %sub3A_100, %sub3A_100 : vector<16xf32>
        %add3A_105 = arith.addf %add3A_103, %mul3A_104 : vector<16xf32>
        %swap3A_106 = arith.index_cast %mul3A_92 : i32 to index
        %swap3A_107 = tpu.vector_load %arg11[%swap3A_106] {strides = array<i32>} : memref<8192xf32, #tpu.memory_space<vmem>>, vector<16xf32>,
        tpu.vector_store %arg11[%swap3A_106], %add3A_105 {strides = array<i32>} : memref<8192xf32, #tpu.memory_space<vmem>>, vector<16xf32>,
        %min3A = arith.minimumf %scan3A_90, %add3A_105 : vector<16xf32>
        scf.yield %min3A : vector<16xf32>
      }
      %scan3A_23 = arith.constant 512 : i32
      %reduce_max3A = arith.constant true
      %reduce_max3A_24 = vector.broadcast %reduce_max3A : i1 to vector<16xi1>
      %reduce_max3A_25 = tpu.scan <max>, %scan3A_22 masked %reduce_max3A_24 : vector<16xf32>, vector<16xi1> -> vector<16xf32>
      %reduce_max3A_26 = vector.extract %reduce_max3A_25[15] : f32 from vector<16xf32>
      %scan3A_27 = arith.constant 0 : i32
      %scan3A_28 = arith.constant 0 : i32
      %scan3A_29 = arith.constant 512 : i32
      %scan3A_30 = arith.addi %scan3A_28, %scan3A_29 : i32
      %scan3A_31 = arith.constant 1 : i32
      %scan3A_32 = scf.for %scan3A_89 = %scan3A_28 to %scan3A_30 step %scan3A_31 iter_args(%scan3A_90 = %scan3A_27) -> (i32)  : i32 {
        %mul3A_91 = arith.constant 16 : i32
        %mul3A_92 = arith.muli %scan3A_89, %mul3A_91 : i32
        %get3A = arith.index_cast %mul3A_92 : i32 to index
        %get3A_93 = tpu.vector_load %arg11[%get3A] {strides = array<i32>} : memref<8192xf32, #tpu.memory_space<vmem>>, vector<16xf32>,
        %le3A = vector.broadcast %reduce_max3A_26 : f32 to vector<16xf32>
        %le3A_94 = arith.cmpf ole, %get3A_93, %le3A : vector<16xf32>
        %swap3A_95 = arith.index_cast %scan3A_90 : i32 to index
        %swap3A_96 = tpu.vector_load %arg12[%swap3A_95] masked %le3A_94 {strides = array<i32>} : memref<1024xf32, #tpu.memory_space<vmem>>, vector<16xf32>, vector<16xi1>
        tpu.vector_store %arg12[%swap3A_95], %get3A_93 masked %le3A_94 {strides = array<i32>} : memref<1024xf32, #tpu.memory_space<vmem>>, vector<16xf32>, vector<16xi1>
        %add3A_97 = vector.broadcast %mul3A_92 : i32 to vector<16xi32>
        %add3A_98 = arith.addi %iota3A, %add3A_97 : vector<16xi32>
        %swap3A_99 = arith.index_cast %scan3A_90 : i32 to index
        %swap3A_100 = tpu.vector_load %arg13[%swap3A_99] masked %le3A_94 {strides = array<i32>} : memref<1024xi32, #tpu.memory_space<vmem>>, vector<16xi32>, vector<16xi1>
        tpu.vector_store %arg13[%swap3A_99], %add3A_98 masked %le3A_94 {strides = array<i32>} : memref<1024xi32, #tpu.memory_space<vmem>>, vector<16xi32>, vector<16xi1>
        %all_reduce_population_count3A = tpu.all_reduce %le3A_94 {dim = 0 : i64, kind = #tpu.reduction_kind<sum>} : vector<16xi1> -> vector<16xi32>
        %reduce_max3A_101 = arith.constant true
        %reduce_max3A_102 = vector.broadcast %reduce_max3A_101 : i1 to vector<16xi1>
        %reduce_max3A_103 = arith.constant -2147483648 : i32
        %reduce_max3A_104 = vector.broadcast %reduce_max3A_103 : i32 to vector<16xi32>
        %reduce_max3A_105 = arith.xori %all_reduce_population_count3A, %reduce_max3A_104 : vector<16xi32>
        %reduce_max3A_106 = tpu.scan <max>, %reduce_max3A_105 masked %reduce_max3A_102 : vector<16xi32>, vector<16xi1> -> vector<16xi32>
        %reduce_max3A_107 = arith.xori %reduce_max3A_106, %reduce_max3A_104 : vector<16xi32>
        %reduce_max3A_108 = vector.extract %reduce_max3A_107[15] : i32 from vector<16xi32>
        %add3A_109 = arith.addi %scan3A_90, %reduce_max3A_108 : i32
        %min3A = arith.constant 1008 : i32
        %min3A_110 = arith.minsi %add3A_109, %min3A : i32
        scf.yield %min3A_110 : i32
      }
      %scan3A_33 = arith.constant 512 : i32
      %broadcast_in_dim3A_34 = arith.constant 0x7F800000 : f32
      %broadcast_in_dim3A_35 = vector.broadcast %broadcast_in_dim3A_34 : f32 to vector<16xf32>
      %swap3A = arith.index_cast %scan3A_32 : i32 to index
      %swap3A_36 = tpu.vector_load %arg12[%swap3A] {strides = array<i32>} : memref<1024xf32, #tpu.memory_space<vmem>>, vector<16xf32>,
      tpu.vector_store %arg12[%swap3A], %broadcast_in_dim3A_35 {strides = array<i32>} : memref<1024xf32, #tpu.memory_space<vmem>>, vector<16xf32>,
      %swap3A_37 = arith.index_cast %scan3A_32 : i32 to index
      %swap3A_38 = tpu.vector_load %arg13[%swap3A_37] {strides = array<i32>} : memref<1024xi32, #tpu.memory_space<vmem>>, vector<16xi32>,
      tpu.vector_store %arg13[%swap3A_37], %broadcast_in_dim3A {strides = array<i32>} : memref<1024xi32, #tpu.memory_space<vmem>>, vector<16xi32>,
      %add3A_39 = arith.constant 16 : i32
      %add3A_40 = arith.addi %scan3A_32, %add3A_39 : i32
      %sub3A = arith.constant 1 : i32
      %sub3A_41 = arith.subi %add3A_40, %sub3A : i32
      %jit3A = arith.constant 16 : i32
      %div3A = arith.divsi %sub3A_41, %jit3A : i32
      %sign3A = arith.constant 0 : i32
      %sign3A_42 = arith.cmpi sgt, %sub3A_41, %sign3A : i32
      %sign3A_43 = arith.extui %sign3A_42 : i1 to i32
      %sign3A_44 = arith.constant 0 : i32
      %sign3A_45 = arith.cmpi slt, %sub3A_41, %sign3A_44 : i32
      %sign3A_46 = arith.extui %sign3A_45 : i1 to i32
      %sign3A_47 = arith.subi %sign3A_43, %sign3A_46 : i32
      %sign3A_48 = arith.constant 0 : i32
      %sign3A_49 = arith.cmpi sgt, %jit3A, %sign3A_48 : i32
      %sign3A_50 = arith.extui %sign3A_49 : i1 to i32
      %sign3A_51 = arith.constant 0 : i32
      %sign3A_52 = arith.cmpi slt, %jit3A, %sign3A_51 : i32
      %sign3A_53 = arith.extui %sign3A_52 : i1 to i32
      %sign3A_54 = arith.subi %sign3A_50, %sign3A_53 : i32
      %ne3A = arith.cmpi ne, %sign3A_47, %sign3A_54 : i32
      %rem3A = arith.remsi %sub3A_41, %jit3A : i32
      %ne3A_55 = arith.constant 0 : i32
      %ne3A_56 = arith.cmpi ne, %rem3A, %ne3A_55 : i32
      %and3A = arith.andi %ne3A, %ne3A_56 : i1
      %sub3A_57 = arith.constant 1 : i32
      %sub3A_58 = arith.subi %div3A, %sub3A_57 : i32
      %select_n3A = arith.select %and3A, %sub3A_58, %div3A : i32
      %broadcast_in_dim3A_59 = arith.constant 0x7F800000 : f32
      %broadcast_in_dim3A_60 = vector.broadcast %broadcast_in_dim3A_59 : f32 to vector<16xf32>
      %broadcast_in_dim3A_61 = arith.constant 0 : i32
      %broadcast_in_dim3A_62 = vector.broadcast %broadcast_in_dim3A_61 : i32 to vector<16xi32>
      %while3A = arith.constant 0 : i32
      %while3A_63 = arith.subi %select_n3A, %while3A : i32
      %while3A_64 = arith.addi %while3A, %while3A_63 : i32
      %while3A_65 = arith.constant 1 : i32
      %while3A_66 = arith.divsi %while3A_63, %while3A_65 : i32
      %while3A_67 = arith.muli %while3A_66, %while3A_65 : i32
      %while3A_68 = arith.addi %while3A, %while3A_67 : i32
      %while3A_69 = arith.constant 1 : i32
      %while3A_70:2 = scf.for %while3A_89 = %while3A to %while3A_68 step %while3A_69 iter_args(%while3A_90 = %broadcast_in_dim3A_60, %while3A_91 = %broadcast_in_dim3A_62) -> (vector<16xf32>, vector<16xi32>)  : i32 {
        %mul3A_92 = arith.constant 16 : i32
        %mul3A_93 = arith.muli %while3A_89, %mul3A_92 : i32
        %get3A = arith.index_cast %mul3A_93 : i32 to index
        %get3A_94 = tpu.vector_load %arg12[%get3A] {strides = array<i32>} : memref<1024xf32, #tpu.memory_space<vmem>>, vector<16xf32>,
        %mul3A_95 = arith.constant 16 : i32
        %mul3A_96 = arith.muli %while3A_89, %mul3A_95 : i32
        %get3A_97 = arith.index_cast %mul3A_96 : i32 to index
        %get3A_98 = tpu.vector_load %arg13[%get3A_97] {strides = array<i32>} : memref<1024xi32, #tpu.memory_space<vmem>>, vector<16xi32>,
        %masked_sort3A = arith.constant dense<true> : vector<16xi1>
        %masked_sort3A_99, %masked_sort3A_100, %masked_sort3A_101 = tpu.sort %get3A_94, %get3A_98 masked %masked_sort3A : (vector<16xf32>, vector<16xi32>, vector<16xi1>) -> (vector<16xi1>, vector<16xf32>, vector<16xi32>)
        %rev3A = arith.constant 15 : i32
        %rev3A_102 = vector.broadcast %rev3A : i32 to vector<16xi32>
        %rev3A_103 = tpu.iota {dimensions = array<i32: 0>} : vector<16xi32>
        %rev3A_104 = arith.subi %rev3A_102, %rev3A_103 : vector<16xi32>
        %rev3A_105 = tpu.dynamic_gather %masked_sort3A_100[%rev3A_104] in [0] : vector<16xf32>, vector<16xi32> -> vector<16xf32>
        %rev3A_106 = arith.constant 15 : i32
        %rev3A_107 = vector.broadcast %rev3A_106 : i32 to vector<16xi32>
        %rev3A_108 = tpu.iota {dimensions = array<i32: 0>} : vector<16xi32>
        %rev3A_109 = arith.subi %rev3A_107, %rev3A_108 : vector<16xi32>
        %rev3A_110 = tpu.dynamic_gather %masked_sort3A_101[%rev3A_109] in [0] : vector<16xi32>, vector<16xi32> -> vector<16xi32>
        %le3A = arith.cmpf ole, %while3A_90, %rev3A_105 : vector<16xf32>
        %select_n3A_111 = arith.select %le3A, %while3A_90, %rev3A_105 : vector<16xi1>, vector<16xf32>
        %select_n3A_112 = arith.select %le3A, %while3A_91, %rev3A_110 : vector<16xi1>, vector<16xi32>
        %masked_sort3A_113 = arith.constant dense<true> : vector<16xi1>
        %masked_sort3A_114, %masked_sort3A_115, %masked_sort3A_116 = tpu.sort %select_n3A_111, %select_n3A_112 masked %masked_sort3A_113 : (vector<16xf32>, vector<16xi32>, vector<16xi1>) -> (vector<16xi1>, vector<16xf32>, vector<16xi32>)
        scf.yield %masked_sort3A_115, %masked_sort3A_116 : vector<16xf32>, vector<16xi32>
      }
      %while3A_71 = arith.constant 1 : i32
      %while3A_72:2 = scf.for %while3A_89 = %while3A_68 to %while3A_64 step %while3A_71 iter_args(%while3A_90 = %while3A_70#0, %while3A_91 = %while3A_70#1) -> (vector<16xf32>, vector<16xi32>)  : i32 {
        %mul3A_92 = arith.constant 16 : i32
        %mul3A_93 = arith.muli %while3A_89, %mul3A_92 : i32
        %get3A = arith.index_cast %mul3A_93 : i32 to index
        %get3A_94 = tpu.vector_load %arg12[%get3A] {strides = array<i32>} : memref<1024xf32, #tpu.memory_space<vmem>>, vector<16xf32>,
        %mul3A_95 = arith.constant 16 : i32
        %mul3A_96 = arith.muli %while3A_89, %mul3A_95 : i32
        %get3A_97 = arith.index_cast %mul3A_96 : i32 to index
        %get3A_98 = tpu.vector_load %arg13[%get3A_97] {strides = array<i32>} : memref<1024xi32, #tpu.memory_space<vmem>>, vector<16xi32>,
        %masked_sort3A = arith.constant dense<true> : vector<16xi1>
        %masked_sort3A_99, %masked_sort3A_100, %masked_sort3A_101 = tpu.sort %get3A_94, %get3A_98 masked %masked_sort3A : (vector<16xf32>, vector<16xi32>, vector<16xi1>) -> (vector<16xi1>, vector<16xf32>, vector<16xi32>)
        %rev3A = arith.constant 15 : i32
        %rev3A_102 = vector.broadcast %rev3A : i32 to vector<16xi32>
        %rev3A_103 = tpu.iota {dimensions = array<i32: 0>} : vector<16xi32>
        %rev3A_104 = arith.subi %rev3A_102, %rev3A_103 : vector<16xi32>
        %rev3A_105 = tpu.dynamic_gather %masked_sort3A_100[%rev3A_104] in [0] : vector<16xf32>, vector<16xi32> -> vector<16xf32>
        %rev3A_106 = arith.constant 15 : i32
        %rev3A_107 = vector.broadcast %rev3A_106 : i32 to vector<16xi32>
        %rev3A_108 = tpu.iota {dimensions = array<i32: 0>} : vector<16xi32>
        %rev3A_109 = arith.subi %rev3A_107, %rev3A_108 : vector<16xi32>
        %rev3A_110 = tpu.dynamic_gather %masked_sort3A_101[%rev3A_109] in [0] : vector<16xi32>, vector<16xi32> -> vector<16xi32>
        %le3A = arith.cmpf ole, %while3A_90, %rev3A_105 : vector<16xf32>
        %select_n3A_111 = arith.select %le3A, %while3A_90, %rev3A_105 : vector<16xi1>, vector<16xf32>
        %select_n3A_112 = arith.select %le3A, %while3A_91, %rev3A_110 : vector<16xi1>, vector<16xi32>
        %masked_sort3A_113 = arith.constant dense<true> : vector<16xi1>
        %masked_sort3A_114, %masked_sort3A_115, %masked_sort3A_116 = tpu.sort %select_n3A_111, %select_n3A_112 masked %masked_sort3A_113 : (vector<16xf32>, vector<16xi32>, vector<16xi1>) -> (vector<16xi1>, vector<16xf32>, vector<16xi32>)
        scf.yield %masked_sort3A_115, %masked_sort3A_116 : vector<16xf32>, vector<16xi32>
      }
      %gather3A_73 = tpu.vector_load_idx %arg8[%while3A_72#1] : memref<8192xf32, #tpu.memory_space<vmem>>[vector<16xi32>], vector<16xf32>,
      %mul3A_74 = arith.constant 16 : i32
      %mul3A_75 = arith.muli %scan3A_11, %mul3A_74 : i32
      %swap3A_76 = arith.index_cast %mul3A_75 : i32 to index
      %swap3A_77 = tpu.vector_load %arg14[%swap3A_76] {strides = array<i32>} : memref<4096xf32, #tpu.memory_space<vmem>>, vector<16xf32>,
      tpu.vector_store %arg14[%swap3A_76], %gather3A_73 {strides = array<i32>} : memref<4096xf32, #tpu.memory_space<vmem>>, vector<16xf32>,
      %gather3A_78 = tpu.vector_load_idx %arg9[%while3A_72#1] : memref<8192xf32, #tpu.memory_space<vmem>>[vector<16xi32>], vector<16xf32>,
      %mul3A_79 = arith.constant 16 : i32
      %mul3A_80 = arith.muli %scan3A_11, %mul3A_79 : i32
      %swap3A_81 = arith.index_cast %mul3A_80 : i32 to index
      %swap3A_82 = tpu.vector_load %arg15[%swap3A_81] {strides = array<i32>} : memref<4096xf32, #tpu.memory_space<vmem>>, vector<16xf32>,
      tpu.vector_store %arg15[%swap3A_81], %gather3A_78 {strides = array<i32>} : memref<4096xf32, #tpu.memory_space<vmem>>, vector<16xf32>,
      %gather3A_83 = tpu.vector_load_idx %arg10[%while3A_72#1] : memref<8192xf32, #tpu.memory_space<vmem>>[vector<16xi32>], vector<16xf32>,
      %mul3A_84 = arith.constant 16 : i32
      %mul3A_85 = arith.muli %scan3A_11, %mul3A_84 : i32
      %swap3A_86 = arith.index_cast %mul3A_85 : i32 to index
      %swap3A_87 = tpu.vector_load %arg16[%swap3A_86] {strides = array<i32>} : memref<4096xf32, #tpu.memory_space<vmem>>, vector<16xf32>,
      tpu.vector_store %arg16[%swap3A_86], %gather3A_83 {strides = array<i32>} : memref<4096xf32, #tpu.memory_space<vmem>>, vector<16xf32>,
      %scan3A_88 = arith.constant 0 : i32
      scf.yield %scan3A_88 : i32
    }
    %scan3A_8 = arith.constant 256 : i32
    %mul3A_9 = arith.constant 16 : i32
    %mul3A_10 = arith.muli %mul3A_2, %mul3A_9 : i32
    "tpu.region"() ({
      %run_scoped3A = tpu.sem_alloc : memref<!tpu.dma_semaphore, #tpu.memory_space<semaphore_mem>>
      %dma_start3A = tpu.memref_slice %arg5[%mul3A_10] : memref<131072xf32, #tpu.memory_space<hbm>> -> memref<4096xf32, #tpu.memory_space<hbm>>
      %dma_start3A_11 = tpu.memref_slice %arg5[%mul3A_10] : memref<131072xf32, #tpu.memory_space<hbm>> -> memref<4096xf32, #tpu.memory_space<hbm>>
      tpu.enqueue_dma source(%arg14 : memref<4096xf32, #tpu.memory_space<vmem>>) target(%dma_start3A_11 : memref<4096xf32, #tpu.memory_space<hbm>>) target_semaphore(%run_scoped3A : memref<!tpu.dma_semaphore, #tpu.memory_space<semaphore_mem>>)
      %dma_wait3A = tpu.memref_slice %arg5[%mul3A_10] : memref<131072xf32, #tpu.memory_space<hbm>> -> memref<4096xf32, #tpu.memory_space<hbm>>
      %dma_wait3A_12 = tpu.memref_slice %arg5[%mul3A_10] : memref<131072xf32, #tpu.memory_space<hbm>> -> memref<4096xf32, #tpu.memory_space<hbm>>
      tpu.wait_dma2 semaphore(%run_scoped3A : memref<!tpu.dma_semaphore, #tpu.memory_space<semaphore_mem>>) src(%arg14 : memref<4096xf32, #tpu.memory_space<vmem>>) dst(%dma_wait3A_12 : memref<4096xf32, #tpu.memory_space<hbm>>)
      tpu.yield
    }) : () -> ()
    "tpu.region"() ({
      %run_scoped3A = tpu.sem_alloc : memref<!tpu.dma_semaphore, #tpu.memory_space<semaphore_mem>>
      %dma_start3A = tpu.memref_slice %arg6[%mul3A_10] : memref<131072xf32, #tpu.memory_space<hbm>> -> memref<4096xf32, #tpu.memory_space<hbm>>
      %dma_start3A_11 = tpu.memref_slice %arg6[%mul3A_10] : memref<131072xf32, #tpu.memory_space<hbm>> -> memref<4096xf32, #tpu.memory_space<hbm>>
      tpu.enqueue_dma source(%arg15 : memref<4096xf32, #tpu.memory_space<vmem>>) target(%dma_start3A_11 : memref<4096xf32, #tpu.memory_space<hbm>>) target_semaphore(%run_scoped3A : memref<!tpu.dma_semaphore, #tpu.memory_space<semaphore_mem>>)
      %dma_wait3A = tpu.memref_slice %arg6[%mul3A_10] : memref<131072xf32, #tpu.memory_space<hbm>> -> memref<4096xf32, #tpu.memory_space<hbm>>
      %dma_wait3A_12 = tpu.memref_slice %arg6[%mul3A_10] : memref<131072xf32, #tpu.memory_space<hbm>> -> memref<4096xf32, #tpu.memory_space<hbm>>
      tpu.wait_dma2 semaphore(%run_scoped3A : memref<!tpu.dma_semaphore, #tpu.memory_space<semaphore_mem>>) src(%arg15 : memref<4096xf32, #tpu.memory_space<vmem>>) dst(%dma_wait3A_12 : memref<4096xf32, #tpu.memory_space<hbm>>)
      tpu.yield
    }) : () -> ()
    "tpu.region"() ({
      %run_scoped3A = tpu.sem_alloc : memref<!tpu.dma_semaphore, #tpu.memory_space<semaphore_mem>>
      %dma_start3A = tpu.memref_slice %arg7[%mul3A_10] : memref<131072xf32, #tpu.memory_space<hbm>> -> memref<4096xf32, #tpu.memory_space<hbm>>
      %dma_start3A_11 = tpu.memref_slice %arg7[%mul3A_10] : memref<131072xf32, #tpu.memory_space<hbm>> -> memref<4096xf32, #tpu.memory_space<hbm>>
      tpu.enqueue_dma source(%arg16 : memref<4096xf32, #tpu.memory_space<vmem>>) target(%dma_start3A_11 : memref<4096xf32, #tpu.memory_space<hbm>>) target_semaphore(%run_scoped3A : memref<!tpu.dma_semaphore, #tpu.memory_space<semaphore_mem>>)
      %dma_wait3A = tpu.memref_slice %arg7[%mul3A_10] : memref<131072xf32, #tpu.memory_space<hbm>> -> memref<4096xf32, #tpu.memory_space<hbm>>
      %dma_wait3A_12 = tpu.memref_slice %arg7[%mul3A_10] : memref<131072xf32, #tpu.memory_space<hbm>> -> memref<4096xf32, #tpu.memory_space<hbm>>
      tpu.wait_dma2 semaphore(%run_scoped3A : memref<!tpu.dma_semaphore, #tpu.memory_space<semaphore_mem>>) src(%arg16 : memref<4096xf32, #tpu.memory_space<vmem>>) dst(%dma_wait3A_12 : memref<4096xf32, #tpu.memory_space<hbm>>)
      tpu.yield
    }) : () -> ()
    return
  }
}

module attributes {stable_mosaic.version = 14 : i64} {
  func.func @_tc_body(%arg0: i32, %arg1: memref<512x3xf32, #tpu.memory_space<vmem>>, %arg2: memref<512x32xf32, #tpu.memory_space<vmem>>, %arg3: memref<512x16xf32, #tpu.memory_space<vmem>>, %arg4: memref<512x16xf32, #tpu.memory_space<vmem>>, %arg5: memref<512x16xf32, #tpu.memory_space<vmem>>, %arg6: memref<10x16xf32, #tpu.memory_space<vmem>>, %arg7: memref<1x16xf32, #tpu.memory_space<vmem>>, %arg8: memref<512x16x48xf32, #tpu.memory_space<vmem>>) attributes {dimension_semantics = [#tpu.dimension_semantics<arbitrary>], iteration_bounds = array<i64: 16>, scalar_prefetch = 0 : i64, scratch_operands = 0 : i64, tpu.core_type = #tpu.core_type<tc>, window_params = [{transform_indices = @transform_0, window_bounds = array<i64: 512, 3>}, {transform_indices = @transform_1, window_bounds = array<i64: 512, 32>}, {transform_indices = @transform_2, window_bounds = array<i64: 512, 16>}, {transform_indices = @transform_3, window_bounds = array<i64: 512, 16>}, {transform_indices = @transform_4, window_bounds = array<i64: 512, 16>}, {pipeline_mode = #tpu.pipeline_mode<synchronous>, transform_indices = @transform_5, window_bounds = array<i64: 10, 16>}, {pipeline_mode = #tpu.pipeline_mode<synchronous>, transform_indices = @transform_6, window_bounds = array<i64: 1, 16>}, {transform_indices = @transform_7, window_bounds = array<i64: 512, 16, 48>}]} {
    %get3A = arith.constant 0 : index
    %get3A_0 = arith.constant 0 : index
    %get3A_1 = vector.load %arg3[%get3A, %get3A_0] : memref<512x16xf32, #tpu.memory_space<vmem>>, vector<512x16xf32>
    %get3A_2 = arith.constant 0 : index
    %get3A_3 = arith.constant 0 : index
    %get3A_4 = vector.load %arg4[%get3A_2, %get3A_3] : memref<512x16xf32, #tpu.memory_space<vmem>>, vector<512x16xf32>
    %get3A_5 = arith.constant 0 : index
    %get3A_6 = arith.constant 0 : index
    %get3A_7 = vector.load %arg5[%get3A_5, %get3A_6] : memref<512x16xf32, #tpu.memory_space<vmem>>, vector<512x16xf32>
    %get3A_8 = arith.constant 0 : index
    %get3A_9 = arith.constant 0 : index
    %get3A_10 = vector.load %arg1[%get3A_8, %get3A_9] : memref<512x3xf32, #tpu.memory_space<vmem>>, vector<512x1xf32>
    %get3A_11 = arith.constant 0 : index
    %get3A_12 = arith.constant 1 : index
    %get3A_13 = vector.load %arg1[%get3A_11, %get3A_12] : memref<512x3xf32, #tpu.memory_space<vmem>>, vector<512x1xf32>
    %get3A_14 = arith.constant 0 : index
    %get3A_15 = arith.constant 2 : index
    %get3A_16 = vector.load %arg1[%get3A_14, %get3A_15] : memref<512x3xf32, #tpu.memory_space<vmem>>, vector<512x1xf32>
    %sub3A = vector.broadcast %get3A_10 : vector<512x1xf32> to vector<512x16xf32>
    %sub3A_17 = arith.subf %sub3A, %get3A_1 : vector<512x16xf32>
    %sub3A_18 = vector.broadcast %get3A_13 : vector<512x1xf32> to vector<512x16xf32>
    %sub3A_19 = arith.subf %sub3A_18, %get3A_4 : vector<512x16xf32>
    %sub3A_20 = vector.broadcast %get3A_16 : vector<512x1xf32> to vector<512x16xf32>
    %sub3A_21 = arith.subf %sub3A_20, %get3A_7 : vector<512x16xf32>
    %mul3A = arith.mulf %sub3A_17, %sub3A_17 : vector<512x16xf32>
    %mul3A_22 = arith.mulf %sub3A_19, %sub3A_19 : vector<512x16xf32>
    %add3A = arith.addf %mul3A, %mul3A_22 : vector<512x16xf32>
    %mul3A_23 = arith.mulf %sub3A_21, %sub3A_21 : vector<512x16xf32>
    %add3A_24 = arith.addf %add3A, %mul3A_23 : vector<512x16xf32>
    %gt3A = arith.constant 0.000000e+00 : f32
    %gt3A_25 = vector.broadcast %gt3A : f32 to vector<512x16xf32>
    %gt3A_26 = arith.cmpf ogt, %add3A_24, %gt3A_25 : vector<512x16xf32>
    %jit3A = arith.constant 1.000000e+00 : f32
    %broadcast_in_dim3A = vector.broadcast %jit3A : f32 to vector<512x16xf32>
    %select_n3A = arith.select %gt3A_26, %add3A_24, %broadcast_in_dim3A : vector<512x16xi1>, vector<512x16xf32>
    %gt3A_27 = arith.constant 0.000000e+00 : f32
    %gt3A_28 = vector.broadcast %gt3A_27 : f32 to vector<512x16xf32>
    %gt3A_29 = arith.cmpf ogt, %add3A_24, %gt3A_28 : vector<512x16xf32>
    %sqrt3A = math.sqrt %select_n3A : vector<512x16xf32>
    %jit3A_30 = arith.constant 0.000000e+00 : f32
    %broadcast_in_dim3A_31 = vector.broadcast %jit3A_30 : f32 to vector<512x16xf32>
    %select_n3A_32 = arith.select %gt3A_29, %sqrt3A, %broadcast_in_dim3A_31 : vector<512x16xi1>, vector<512x16xf32>
    %broadcast_in_dim3A_33 = vector.shape_cast %get3A_10 : vector<512x1xf32> to vector<512x1xf32>
    %broadcast_in_dim3A_34 = vector.broadcast %broadcast_in_dim3A_33 : vector<512x1xf32> to vector<512x16xf32>
    %broadcast_in_dim3A_35 = vector.shape_cast %get3A_13 : vector<512x1xf32> to vector<512x1xf32>
    %broadcast_in_dim3A_36 = vector.broadcast %broadcast_in_dim3A_35 : vector<512x1xf32> to vector<512x16xf32>
    %broadcast_in_dim3A_37 = vector.shape_cast %get3A_16 : vector<512x1xf32> to vector<512x1xf32>
    %broadcast_in_dim3A_38 = vector.broadcast %broadcast_in_dim3A_37 : vector<512x1xf32> to vector<512x16xf32>
    %get3A_39 = arith.constant 0 : index
    %get3A_40 = arith.constant 0 : index
    %get3A_41 = vector.load %arg7[%get3A_39, %get3A_40] : memref<1x16xf32, #tpu.memory_space<vmem>>, vector<1x16xf32>
    %get3A_42 = vector.shape_cast %get3A_41 : vector<1x16xf32> to vector<16xf32>
    %broadcast_in_dim3A_43 = vector.shape_cast %get3A_42 : vector<16xf32> to vector<1x1x16xf32>
    %broadcast_in_dim3A_44 = vector.shape_cast %broadcast_in_dim3A_43 : vector<1x1x16xf32> to vector<1x1x16xf32>
    %broadcast_in_dim3A_45 = vector.broadcast %broadcast_in_dim3A_44 : vector<1x1x16xf32> to vector<512x16x16xf32>
    %broadcast_in_dim3A_46 = vector.shape_cast %broadcast_in_dim3A_34 : vector<512x16xf32> to vector<512x16x1xf32>
    %get3A_47 = arith.constant 0 : index
    %get3A_48 = arith.constant 0 : index
    %get3A_49 = vector.load %arg6[%get3A_47, %get3A_48] : memref<10x16xf32, #tpu.memory_space<vmem>>, vector<1x16xf32>
    %get3A_50 = vector.shape_cast %get3A_49 : vector<1x16xf32> to vector<16xf32>
    %broadcast_in_dim3A_51 = vector.shape_cast %get3A_50 : vector<16xf32> to vector<1x1x16xf32>
    %mul3A_52 = vector.broadcast %broadcast_in_dim3A_46 : vector<512x16x1xf32> to vector<512x16x16xf32>
    %mul3A_53 = vector.broadcast %broadcast_in_dim3A_51 : vector<1x1x16xf32> to vector<512x16x16xf32>
    %mul3A_54 = arith.mulf %mul3A_52, %mul3A_53 : vector<512x16x16xf32>
    %add3A_55 = arith.addf %broadcast_in_dim3A_45, %mul3A_54 : vector<512x16x16xf32>
    %broadcast_in_dim3A_56 = vector.shape_cast %broadcast_in_dim3A_36 : vector<512x16xf32> to vector<512x16x1xf32>
    %get3A_57 = arith.constant 1 : index
    %get3A_58 = arith.constant 0 : index
    %get3A_59 = vector.load %arg6[%get3A_57, %get3A_58] : memref<10x16xf32, #tpu.memory_space<vmem>>, vector<1x16xf32>
    %get3A_60 = vector.shape_cast %get3A_59 : vector<1x16xf32> to vector<16xf32>
    %broadcast_in_dim3A_61 = vector.shape_cast %get3A_60 : vector<16xf32> to vector<1x1x16xf32>
    %mul3A_62 = vector.broadcast %broadcast_in_dim3A_56 : vector<512x16x1xf32> to vector<512x16x16xf32>
    %mul3A_63 = vector.broadcast %broadcast_in_dim3A_61 : vector<1x1x16xf32> to vector<512x16x16xf32>
    %mul3A_64 = arith.mulf %mul3A_62, %mul3A_63 : vector<512x16x16xf32>
    %add3A_65 = arith.addf %add3A_55, %mul3A_64 : vector<512x16x16xf32>
    %broadcast_in_dim3A_66 = vector.shape_cast %broadcast_in_dim3A_38 : vector<512x16xf32> to vector<512x16x1xf32>
    %get3A_67 = arith.constant 2 : index
    %get3A_68 = arith.constant 0 : index
    %get3A_69 = vector.load %arg6[%get3A_67, %get3A_68] : memref<10x16xf32, #tpu.memory_space<vmem>>, vector<1x16xf32>
    %get3A_70 = vector.shape_cast %get3A_69 : vector<1x16xf32> to vector<16xf32>
    %broadcast_in_dim3A_71 = vector.shape_cast %get3A_70 : vector<16xf32> to vector<1x1x16xf32>
    %mul3A_72 = vector.broadcast %broadcast_in_dim3A_66 : vector<512x16x1xf32> to vector<512x16x16xf32>
    %mul3A_73 = vector.broadcast %broadcast_in_dim3A_71 : vector<1x1x16xf32> to vector<512x16x16xf32>
    %mul3A_74 = arith.mulf %mul3A_72, %mul3A_73 : vector<512x16x16xf32>
    %add3A_75 = arith.addf %add3A_65, %mul3A_74 : vector<512x16x16xf32>
    %broadcast_in_dim3A_76 = vector.shape_cast %get3A_1 : vector<512x16xf32> to vector<512x16x1xf32>
    %get3A_77 = arith.constant 3 : index
    %get3A_78 = arith.constant 0 : index
    %get3A_79 = vector.load %arg6[%get3A_77, %get3A_78] : memref<10x16xf32, #tpu.memory_space<vmem>>, vector<1x16xf32>
    %get3A_80 = vector.shape_cast %get3A_79 : vector<1x16xf32> to vector<16xf32>
    %broadcast_in_dim3A_81 = vector.shape_cast %get3A_80 : vector<16xf32> to vector<1x1x16xf32>
    %mul3A_82 = vector.broadcast %broadcast_in_dim3A_76 : vector<512x16x1xf32> to vector<512x16x16xf32>
    %mul3A_83 = vector.broadcast %broadcast_in_dim3A_81 : vector<1x1x16xf32> to vector<512x16x16xf32>
    %mul3A_84 = arith.mulf %mul3A_82, %mul3A_83 : vector<512x16x16xf32>
    %add3A_85 = arith.addf %add3A_75, %mul3A_84 : vector<512x16x16xf32>
    %broadcast_in_dim3A_86 = vector.shape_cast %get3A_4 : vector<512x16xf32> to vector<512x16x1xf32>
    %get3A_87 = arith.constant 4 : index
    %get3A_88 = arith.constant 0 : index
    %get3A_89 = vector.load %arg6[%get3A_87, %get3A_88] : memref<10x16xf32, #tpu.memory_space<vmem>>, vector<1x16xf32>
    %get3A_90 = vector.shape_cast %get3A_89 : vector<1x16xf32> to vector<16xf32>
    %broadcast_in_dim3A_91 = vector.shape_cast %get3A_90 : vector<16xf32> to vector<1x1x16xf32>
    %mul3A_92 = vector.broadcast %broadcast_in_dim3A_86 : vector<512x16x1xf32> to vector<512x16x16xf32>
    %mul3A_93 = vector.broadcast %broadcast_in_dim3A_91 : vector<1x1x16xf32> to vector<512x16x16xf32>
    %mul3A_94 = arith.mulf %mul3A_92, %mul3A_93 : vector<512x16x16xf32>
    %add3A_95 = arith.addf %add3A_85, %mul3A_94 : vector<512x16x16xf32>
    %broadcast_in_dim3A_96 = vector.shape_cast %get3A_7 : vector<512x16xf32> to vector<512x16x1xf32>
    %get3A_97 = arith.constant 5 : index
    %get3A_98 = arith.constant 0 : index
    %get3A_99 = vector.load %arg6[%get3A_97, %get3A_98] : memref<10x16xf32, #tpu.memory_space<vmem>>, vector<1x16xf32>
    %get3A_100 = vector.shape_cast %get3A_99 : vector<1x16xf32> to vector<16xf32>
    %broadcast_in_dim3A_101 = vector.shape_cast %get3A_100 : vector<16xf32> to vector<1x1x16xf32>
    %mul3A_102 = vector.broadcast %broadcast_in_dim3A_96 : vector<512x16x1xf32> to vector<512x16x16xf32>
    %mul3A_103 = vector.broadcast %broadcast_in_dim3A_101 : vector<1x1x16xf32> to vector<512x16x16xf32>
    %mul3A_104 = arith.mulf %mul3A_102, %mul3A_103 : vector<512x16x16xf32>
    %add3A_105 = arith.addf %add3A_95, %mul3A_104 : vector<512x16x16xf32>
    %broadcast_in_dim3A_106 = vector.shape_cast %sub3A_17 : vector<512x16xf32> to vector<512x16x1xf32>
    %get3A_107 = arith.constant 6 : index
    %get3A_108 = arith.constant 0 : index
    %get3A_109 = vector.load %arg6[%get3A_107, %get3A_108] : memref<10x16xf32, #tpu.memory_space<vmem>>, vector<1x16xf32>
    %get3A_110 = vector.shape_cast %get3A_109 : vector<1x16xf32> to vector<16xf32>
    %broadcast_in_dim3A_111 = vector.shape_cast %get3A_110 : vector<16xf32> to vector<1x1x16xf32>
    %mul3A_112 = vector.broadcast %broadcast_in_dim3A_106 : vector<512x16x1xf32> to vector<512x16x16xf32>
    %mul3A_113 = vector.broadcast %broadcast_in_dim3A_111 : vector<1x1x16xf32> to vector<512x16x16xf32>
    %mul3A_114 = arith.mulf %mul3A_112, %mul3A_113 : vector<512x16x16xf32>
    %add3A_115 = arith.addf %add3A_105, %mul3A_114 : vector<512x16x16xf32>
    %broadcast_in_dim3A_116 = vector.shape_cast %sub3A_19 : vector<512x16xf32> to vector<512x16x1xf32>
    %get3A_117 = arith.constant 7 : index
    %get3A_118 = arith.constant 0 : index
    %get3A_119 = vector.load %arg6[%get3A_117, %get3A_118] : memref<10x16xf32, #tpu.memory_space<vmem>>, vector<1x16xf32>
    %get3A_120 = vector.shape_cast %get3A_119 : vector<1x16xf32> to vector<16xf32>
    %broadcast_in_dim3A_121 = vector.shape_cast %get3A_120 : vector<16xf32> to vector<1x1x16xf32>
    %mul3A_122 = vector.broadcast %broadcast_in_dim3A_116 : vector<512x16x1xf32> to vector<512x16x16xf32>
    %mul3A_123 = vector.broadcast %broadcast_in_dim3A_121 : vector<1x1x16xf32> to vector<512x16x16xf32>
    %mul3A_124 = arith.mulf %mul3A_122, %mul3A_123 : vector<512x16x16xf32>
    %add3A_125 = arith.addf %add3A_115, %mul3A_124 : vector<512x16x16xf32>
    %broadcast_in_dim3A_126 = vector.shape_cast %sub3A_21 : vector<512x16xf32> to vector<512x16x1xf32>
    %get3A_127 = arith.constant 8 : index
    %get3A_128 = arith.constant 0 : index
    %get3A_129 = vector.load %arg6[%get3A_127, %get3A_128] : memref<10x16xf32, #tpu.memory_space<vmem>>, vector<1x16xf32>
    %get3A_130 = vector.shape_cast %get3A_129 : vector<1x16xf32> to vector<16xf32>
    %broadcast_in_dim3A_131 = vector.shape_cast %get3A_130 : vector<16xf32> to vector<1x1x16xf32>
    %mul3A_132 = vector.broadcast %broadcast_in_dim3A_126 : vector<512x16x1xf32> to vector<512x16x16xf32>
    %mul3A_133 = vector.broadcast %broadcast_in_dim3A_131 : vector<1x1x16xf32> to vector<512x16x16xf32>
    %mul3A_134 = arith.mulf %mul3A_132, %mul3A_133 : vector<512x16x16xf32>
    %add3A_135 = arith.addf %add3A_125, %mul3A_134 : vector<512x16x16xf32>
    %broadcast_in_dim3A_136 = vector.shape_cast %select_n3A_32 : vector<512x16xf32> to vector<512x16x1xf32>
    %get3A_137 = arith.constant 9 : index
    %get3A_138 = arith.constant 0 : index
    %get3A_139 = vector.load %arg6[%get3A_137, %get3A_138] : memref<10x16xf32, #tpu.memory_space<vmem>>, vector<1x16xf32>
    %get3A_140 = vector.shape_cast %get3A_139 : vector<1x16xf32> to vector<16xf32>
    %broadcast_in_dim3A_141 = vector.shape_cast %get3A_140 : vector<16xf32> to vector<1x1x16xf32>
    %mul3A_142 = vector.broadcast %broadcast_in_dim3A_136 : vector<512x16x1xf32> to vector<512x16x16xf32>
    %mul3A_143 = vector.broadcast %broadcast_in_dim3A_141 : vector<1x1x16xf32> to vector<512x16x16xf32>
    %mul3A_144 = arith.mulf %mul3A_142, %mul3A_143 : vector<512x16x16xf32>
    %add3A_145 = arith.addf %add3A_135, %mul3A_144 : vector<512x16x16xf32>
    %get3A_146 = arith.constant 0 : index
    %get3A_147 = arith.constant 0 : index
    %get3A_148 = vector.load %arg2[%get3A_146, %get3A_147] : memref<512x32xf32, #tpu.memory_space<vmem>>, vector<512x32xf32>
    %broadcast_in_dim3A_149 = vector.shape_cast %get3A_148 : vector<512x32xf32> to vector<512x1x32xf32>
    %broadcast_in_dim3A_150 = vector.shape_cast %broadcast_in_dim3A_149 : vector<512x1x32xf32> to vector<512x1x32xf32>
    %broadcast_in_dim3A_151 = vector.broadcast %broadcast_in_dim3A_150 : vector<512x1x32xf32> to vector<512x16x32xf32>
    %concatenate3A = tpu.concatenate %add3A_145, %broadcast_in_dim3A_151 in 2 : vector<512x16x16xf32>, vector<512x16x32xf32> -> vector<512x16x48xf32>
    %swap3A = arith.constant 0 : index
    %swap3A_152 = arith.constant 0 : index
    %swap3A_153 = arith.constant 0 : index
    %swap3A_154 = vector.load %arg8[%swap3A, %swap3A_152, %swap3A_153] : memref<512x16x48xf32, #tpu.memory_space<vmem>>, vector<512x16x48xf32>
    tpu.vector_store %arg8[%swap3A, %swap3A_152, %swap3A_153], %concatenate3A {strides = array<i32>} : memref<512x16x48xf32, #tpu.memory_space<vmem>>, vector<512x16x48xf32>,
    return
  }
  func.func @transform_0(%arg0: i32) -> (i32, i32) {
    %c0_i32 = arith.constant 0 : i32
    %c0_i32_0 = arith.constant 0 : i32
    return %arg0, %c0_i32 : i32, i32
  }
  func.func @transform_1(%arg0: i32) -> (i32, i32) {
    %c0_i32 = arith.constant 0 : i32
    %c0_i32_0 = arith.constant 0 : i32
    return %arg0, %c0_i32 : i32, i32
  }
  func.func @transform_2(%arg0: i32) -> (i32, i32) {
    %c0_i32 = arith.constant 0 : i32
    %c0_i32_0 = arith.constant 0 : i32
    return %arg0, %c0_i32 : i32, i32
  }
  func.func @transform_3(%arg0: i32) -> (i32, i32) {
    %c0_i32 = arith.constant 0 : i32
    %c0_i32_0 = arith.constant 0 : i32
    return %arg0, %c0_i32 : i32, i32
  }
  func.func @transform_4(%arg0: i32) -> (i32, i32) {
    %c0_i32 = arith.constant 0 : i32
    %c0_i32_0 = arith.constant 0 : i32
    return %arg0, %c0_i32 : i32, i32
  }
  func.func @transform_5(%arg0: i32) -> (i32, i32) {
    %c0_i32 = arith.constant 0 : i32
    %c0_i32_0 = arith.constant 0 : i32
    %c0_i32_1 = arith.constant 0 : i32
    return %c0_i32, %c0_i32_0 : i32, i32
  }
  func.func @transform_6(%arg0: i32) -> (i32, i32) {
    %c0_i32 = arith.constant 0 : i32
    %c0_i32_0 = arith.constant 0 : i32
    %c0_i32_1 = arith.constant 0 : i32
    return %c0_i32, %c0_i32_0 : i32, i32
  }
  func.func @transform_7(%arg0: i32) -> (i32, i32, i32) {
    %c0_i32 = arith.constant 0 : i32
    %c0_i32_0 = arith.constant 0 : i32
    %c0_i32_1 = arith.constant 0 : i32
    return %arg0, %c0_i32, %c0_i32_0 : i32, i32, i32
  }
}

</mosaic_0001>

<sc_bundles>
// kernel: kernel.4.cloned.1.call-start
scs
__scs_entry_jumppad:
0x0: {  	(pc) =	sbr.rel $0x88, $3  }
0x1: {  	(tag) =	ssettag $0x0;
	lr =	simm.s32 $0x1  }
0x2: {  	[smem:$0x3F9D] =	sst lr;
	_ =	strace $0xD0000000  }
0x3: {  	_ = 	snop  }
0x4: {  	_ = 	snop  }
0x5: {  	_ = 	snop  }
0x6: {  	_ = 	snop  }
0x7: {  	_ = 	snop  }
__scs_overlays_trampoline_lowered:
0x8: {  	[smem:$0x3FAC] =	sst s0  }
0x9: {  	[smem:$0x3FAD] =	sst s1  }
0xa: {  	[smem:$0x3FAE] =	sst s2  }
0xb: {  	[smem:$0x3FAF] =	sst s3  }
0xc: {  	[smem:$0x3FB0] =	sst s4  }
0xd: {  	[smem:$0x3FB1] =	sst s5  }
0xe: {  	[smem:$0x3FB2] =	sst s6  }
0xf: {  	[smem:$0x3FB3] =	sst s7  }
0x10: {  	[smem:$0x3FB4] =	sst s8  }
0x11: {  	[smem:$0x3FB5] =	sst s9;
	s0 =	simm.s32 @!p0 $0x0  }
0x12: {  	s1 =	sld [smem:$0x3F9B];
	s0 =	simm.s32 @p0 $0x1  }
0x13: {  	[smem:$0x3FB6] =	sst s0;
	s0 =	simm.s32 @!p1 $0x0  }
0x14: {  	s2 =	sld [smem:$0x3F9A];
	s0 =	simm.s32 @p1 $0x1  }
0x15: {  	[smem:$0x3FB7] =	sst s0;
	s0 =	simm.s32 @!p2 $0x0  }
0x16: {  	s3 =	sld [smem:$0x3FDB];
	s0 =	simm.s32 @p2 $0x1  }
0x17: {  	s4 =	simm.s32 $0x1BF5;
	[smem:$0x3FB9] =	sst s0  }
0x18: {  	s0 =	sld [smem:$0x3F9C];
	_ =	swait.ge [sflag:s4], $0x0  }
0x19: {  	s7 =	sld [smem:$0x3F9D]  }
0x1a: {  	s8 =	sadd.s32 $0xFFFFE003, lr  }
0x1b: {  	s9 =	sadd.s32 $0xFFFFFEF7, lr;
	s5 =	simm.s32 $0xFFFFFFFF;
	p2 =	slt.u32 s8, $0xFFFFF086  }
0x1c: {  	p1 =	slt.u32 s9, $0xF7A;
	s5 =	simm.s32 @!p2 $0x0  }
0x1d: {  	s5 =	simm.s32 @p1 $0x1;
	p0 =	seq.s32 s7, s2  }
0x1e: {  	s7 =	smul.u32 @!p0 $0xF7A, s2;
	p2 =	seq.s32 @!p0 s5, $0x0  }
0x1f: {  	s9 =	smul.u32 $0xF7A, s1;
	s8 =	simm.s32 @!p0 $0x1BF5;
	p2 =	por !p2, p0  }
0x20: {  	[sflag:s8] =	ssyncset.s32 @!p0 $0xFFFFF086;
	s6 =	sadd.s32 @!p0 s3, s7;
	s7 =	simm.s32 @!p0 $0x108  }
0x21: {  	s3 =	sadd.s32 s3, s9;
	s6 =	sadd.s32 @!p0 $0x88, s6;
	s7 =	simm.s32 @p2 $0x1082  }
0x22: {  	[simem:s7], [sflag:s8] =	dma.local @!p0 [hbm:s6], $0xF7A  }
0x23: {  	s9 =	sor.u32 $0xD0000000, s2;
	s6 =	simm.s32 $0x108;
	_ =	swait.ge @!p0 [sflag:s8], $0x0  }
0x24: {  	s3 =	sadd.s32 $0x88, s3;
	s6 =	simm.s32 @!p1 $0x1082;
	[sflag:s4] =	ssyncset.s32 $0xFFFFF086  }
0x25: {  	[simem:s6], [sflag:s4] =	dma.local [hbm:s3], $0xF7A  }
0x26: {  	[smem:$0x3F9D] =	sst s1;
	(tag) =	ssettag s2;
	_ =	strace s9  }
0x27: {  	s1 =	sld [smem:$0x3FAD]  }
0x28: {  	s2 =	sld [smem:$0x3FAE]  }
0x29: {  	s4 =	sld [smem:$0x3FB0]  }
0x2a: {  	p0 =	seq.s32 s5, $0x0;
	s5 =	sld [smem:$0x3FB1]  }
0x2b: {  	s6 =	sld [smem:$0x3FB2]  }
0x2c: {  	s7 =	sld [smem:$0x3FB3]  }
0x2d: {  	s3 =	simm.s32 $0x108;
	s8 =	sld [smem:$0x3FB4]  }
0x2e: {  	s3 =	simm.s32 @!p0 $0x1082;
	s9 =	sld [smem:$0x3FB5]  }
0x2f: {  	lr =	sadd.s32 s0, s3;
	s0 =	sld [smem:$0x3FAC]  }
0x30: {  	s3 =	sld [smem:$0x3FAF]  }
0x31: {  	[smem:$0x3FB8] =	sst s10  }
0x32: {  	s10 =	sld [smem:$0x3FB6];
	_ =	sdelay $0x3  }
0x33: {  	p0 =	seq.s32 s10, $0x1;
	s10 =	sld [smem:$0x3FB8];
	_ =	sdelay $0x3  }
0x34: {  	[smem:$0x3FB8] =	sst s10  }
0x35: {  	s10 =	sld [smem:$0x3FB7];
	_ =	sdelay $0x3  }
0x36: {  	p1 =	seq.s32 s10, $0x1;
	s10 =	sld [smem:$0x3FB8];
	_ =	sdelay $0x3  }
0x37: {  	[smem:$0x3FB8] =	sst s10  }
0x38: {  	s10 =	sld [smem:$0x3FB9]  }
0x39: {  	_ = 	snop;
	(pc) =	sbr.ind lr, $3  }
0x3a: {  	_ = 	snop  }
0x3b: {  	_ = 	snop  }
0x3c: {  	p2 =	seq.s32 s10, $0x1;
	s10 =	sld [smem:$0x3FB8]  }
0x3d: {  	_ =	shalt  }
0x3e: {  	_ =	shalt  }
0x3f: {  	_ =	shalt  }
0x40: {  	_ =	shalt  }
0x41: {  	_ =	shalt  }
0x42: {  	_ =	shalt  }
0x43: {  	_ =	shalt  }
0x44: {  	_ =	shalt  }
0x45: {  	_ =	shalt  }
0x46: {  	_ =	shalt  }
0x47: {  	_ =	shalt  }
0x48: {  	_ =	shalt  }
0x49: {  	_ =	shalt  }
0x4a: {  	_ =	shalt  }
0x4b: {  	_ =	shalt  }
0x4c: {  	_ =	shalt  }
0x4d: {  	_ =	shalt  }
0x4e: {  	_ =	shalt  }
0x4f: {  	_ =	shalt  }
0x50: {  	_ =	shalt  }
0x51: {  	_ =	shalt  }
0x52: {  	_ =	shalt  }
0x53: {  	_ =	shalt  }
0x54: {  	_ =	shalt  }
0x55: {  	_ =	shalt  }
0x56: {  	_ =	shalt  }
0x57: {  	_ =	shalt  }
0x58: {  	_ =	shalt  }
0x59: {  	_ =	shalt  }
0x5a: {  	_ =	shalt  }
0x5b: {  	_ =	shalt  }
0x5c: {  	_ =	shalt  }
0x5d: {  	_ =	shalt  }
0x5e: {  	_ =	shalt  }
0x5f: {  	_ =	shalt  }
0x60: {  	_ =	shalt  }
0x61: {  	_ =	shalt  }
0x62: {  	_ =	shalt  }
0x63: {  	_ =	shalt  }
0x64: {  	_ =	shalt  }
0x65: {  	_ =	shalt  }
0x66: {  	_ =	shalt  }
0x67: {  	_ =	shalt  }
0x68: {  	_ =	shalt  }
0x69: {  	_ =	shalt  }
0x6a: {  	_ =	shalt  }
0x6b: {  	_ =	shalt  }
0x6c: {  	_ =	shalt  }
0x6d: {  	_ =	shalt  }
0x6e: {  	_ =	shalt  }
0x6f: {  	_ =	shalt  }
0x70: {  	_ =	shalt  }
0x71: {  	_ =	shalt  }
0x72: {  	_ =	shalt  }
0x73: {  	_ =	shalt  }
0x74: {  	_ =	shalt  }
0x75: {  	_ =	shalt  }
0x76: {  	_ =	shalt  }
0x77: {  	_ =	shalt  }
0x78: {  	_ =	shalt  }
0x79: {  	_ =	shalt  }
0x7a: {  	_ =	shalt  }
0x7b: {  	_ =	shalt  }
0x7c: {  	_ =	shalt  }
0x7d: {  	_ =	shalt  }
0x7e: {  	_ =	shalt  }
0x7f: {  	_ =	shalt  }
0x80: {  	_ =	shalt  }
0x81: {  	_ =	shalt  }
0x82: {  	_ =	shalt  }
0x83: {  	_ =	shalt  }
0x84: {  	_ =	shalt  }
0x85: {  	_ =	shalt  }
0x86: {  	_ =	shalt  }
0x87: {  	_ =	shalt  }
.Lfunc_end0:
.L_simem_size_0:
called_computation_lowered:
.L_overlay_start_0:
0x88: {  	s2 =	sld [smem:$0x3FD9]  }
0x89: {  	s3 =	sld [smem:$0x3FFE];
	_ =	sdelay $0x1  }
0x8a: {  	s1 =	srdreg.scid  }
0x8b: {  	s0 =	sand.u32 $0x1, s1  }
0x8c: {  	s17 =	sshll.u32 s0, $0xA;
	s2 =	sadd.s32 s3, s2  }
0x8d: {  	s2 =	sadd.s32 s2, s17  }
0x8e: {  	[smem:$0x3FC4] =	sst s2  }
0x8f: {  	_ = 	snop  }
0x90: {  	s2 =	sld [smem:$0x3FD0];
	(tm) =	ssettm $0x1  }
0x91: {  	s18 =	sld [smem:$0x3FFB];
	_ =	sdelay $0x3  }
0x92: {  	_ =	strace s18  }
0x93: {  	s3 =	sld [smem:$0x3FFC];
	_ =	sdelay $0x3  }
0x94: {  	_ =	strace s3  }
0x95: {  	s3 =	sld [smem:$0x3FFD];
	_ =	sdelay $0x3  }
0x96: {  	_ =	strace s3  }
0x97: {  	_ =	strace $0x8FFFFFFF  }
0x98: {  	s19 =	sld [smem:$0x3FDB];
	_ =	sdelay $0x1  }
0x99: {  	s4 =	simm.s32 $_scs_section_size  }
0x9a: {  	s5 =	simm.s32 $_size__tile_overlayer_lowered;
	s6 =	simm.s32 $_tile_overlayer_lowered  }
0x9b: {  	s22 =	simm.s32 $0x1BFF;
	s21 =	sshll.u32 s6, $0x1;
	s3 =	sadd.s32 s4, s19  }
0x9c: {  	s7 =	simm.s32 $0x0;
	s20 =	sshll.u32 s5, $0x1;
	s5 =	sadd.s32 s21, s3  }
0x9d: {  	[timem:s7], [sflag:s22] =	dma.local [hbm:s5], s20  }
0x9e: {  	_ =	swait.ge [sflag:s22], s20  }
0x9f: {  	s4 =	ssub.s32 $0x0, s20;
	[sflag:s22] =	ssyncset.done $0x0  }
0xa0: {  	[sflag:s22] =	ssyncadd.s32 s4;
	_ =	sdelay $0x1  }
0xa1: {  	s23 =	simm.s32 $0x1B8B  }
0xa2: {  	_ =	swait.ge [sflag:s23], $0x1  }
0xa3: {  	[sflag:s23] =	ssyncset.done $0x0  }
0xa4: {  	s25 =	simm.s32 $0x1B8E;
	s24 =	sld [smem:$0x3FFE];
	[sflag:s23] =	ssyncadd.s32 $0xFFFFFFFF  }
0xa5: {  	s26 =	simm.s32 $execute0_lowered;
	[smem:$0x3FD2] =	sst s25  }
0xa6: {  	s5 =	sshll.u32 s26, $0x1;
	_ =	strace $0x80000046;
	[dreg:$0x1] =	wrdreg $0xFFFFFFFF  }
0xa7: {  	s28 =	simm.s32 $_size_execute0_lowered;
	s3 =	sadd.s32 s3, s5;
	[dreg:$0x0] =	wrdreg $0x0  }
0xa8: {  	s5 =	sshll.u32 s28, $0x1;
	[dreg:$0x2] =	wrdreg s3  }
0xa9: {  	[dreg:$0x3] =	wrdreg s5  }
0xaa: {  	[dreg:$0x4] =	wrdreg $0xC0  }
0xab: {  	_ =	task [dreg:s7], $0x5FFFF  }
0xac: {  	[dreg:$0x1] =	wrdreg $0xFFFFFFFF  }
0xad: {  	[dreg:$0x0] =	wrdreg $0x60  }
0xae: {  	[dreg:$0x2] =	wrdreg s24  }
0xaf: {  	[dreg:$0x3] =	wrdreg s2  }
0xb0: {  	[dreg:$0x4] =	wrdreg $0x9  }
0xb1: {  	_ =	task.clear_ibuf [dreg:s7], $0x5FFFF;
	_ =	strace $0x90000046  }
0xb2: {  	s29 =	simm.s32 $0x9;
	_ =	strace $0x80000048  }
0xb3: {  	_ =	swait.ge [sflag:s29], $0x1  }
0xb4: {  	[sflag:s29] =	ssyncadd.s32 $0xFFFFFFFF  }
0xb5: {  	_ =	strace $0x90000048  }
0xb6: {  	_ =	sfence  }
0xb7: {  	s30 =	sld [smem:$0x0];
	_ =	sdelay $0x2  }
0xb8: {  	s31 =	sshll.u32 s1, $0xD;
	s1 =	sshrl.u32 s1, $0x2  }
0xb9: {  	s3 =	sand.u32 $0x4000, s31;
	s1 =	sadd.s32 s1, s30  }
0xba: {  	s0 =	sor.u32 s3, s0;
	s1 =	sshll.u32 s1, $0x11  }
0xbb: {  	s0 =	sor.u32 s1, s0  }
0xbc: {  	s0 =	sadd.s32 $0x8F2B, s0  }
0xbd: {  	[sflag:s0] =	ssyncadd.remote.s32 $0x1  }
0xbe: {  	_ =	sfence.sel $0xFFFF  }
0xbf: {  	[dreg:$0x0] =	wrdreg $0xFFFFFFFF;
	(pc) =	sbr.abs _section_cstart, $3  }
0xc0: {  	[dreg:$0x1] =	wrdreg $0xFFFFFFFF  }
0xc1: {  	_ =	task.clear_ibuf [dreg:s7], $0x2FFFF;
	_ =	strace $0x9FFFFFFF  }
0xc2: {  	(tm) =	ssettm $0x7FFFFFFF  }
0xc3: {  	_ =	shalt  }
tec
execute0_lowered:
.L_overlay_start_1:
0x0: {  	(tag) =	ssettag $0x1  }
0x1: {  	s6 =	rddreg [dreg:$0x0]  }
0x2: {  	s7 =	rddreg [dreg:$0x1]  }
0x3: {  	s0 =	rddreg [dreg:$0x2];
	s2 =	simm.s32 $0x0;
	s3 =	srdreg.scid  }
0x4: {  	s1 =	stileid.u32;
	s13 =	simm.s32 $0x4000;
	s14 =	simm.s32 $0x8800  }
0x5: {  	s15 =	simm.s32 $0x9800;
	s16 =	simm.s32 $0xA800;
	s17 =	simm.s32 $0x0  }
0x6: {  	[smem:$0x7FF] =	sst s2;
	s4 =	sand.u32 $0x1, s3;
	s5 =	sshll.u32 s1, $0x1  }
0x7: {  	s3 =	sadd.s32 $0x1C00, s6;
	_ =	strace $0x80000047;
	s8 =	sor.u32 s4, s5  }
.Ltmp0:
0x8: {  	s9 =	ssub.s32 $0x2, s4;
	s4 =	sadd.s32 $0x1800, s6;
	(pc) =	sbr.rel .LBB2_1-.Ltmp0, $4  }
0x9: {  	v0 =	vlaneseq.u32;
	s5 =	sadd.s32 $0x1400, s6;
	s10 =	sshll.u32 s8, $0x9;
	s11 =	sshrl.u32 s9, $0x1  }
0xa: {  	v1 =	vmul.u32 $0xFFFFFFFF, v0;
	s12 =	sadd.s32 s10, s6;
	s11 =	ssub.s32 s9, s11;
	s6 =	sshll.u32 s8, $0x8  }
0xb: {  	s7 =	sadd.s32 s7, s10;
	s8 =	sadd.s32 $0x2000, s12;
	s9 =	sadd.s32 $0x6000, s12  }
0xc: {  	v1 =	vadd.s32 $0xF, v1;
	s10 =	smax.u32 s11, $0x1;
	s11 =	simm.s32 $0x1;
	s12 =	simm.s32 $0x2000  }
.LBB2_15:
0xd: {  	[hbm4b:s7+s2] =	stream.linear.scatter [tilespmem:s14], [sflag:$0x1], $0x1000, $0x38;
	[tilespmem:$0xB800] =	vst v63  }
0xe: {  	_ =	swait.ge [sflag:s11], $0x1000  }
0xf: {  	[sflag:s11] =	ssyncset.done $0x0  }
0x10: {  	[sflag:s11] =	ssyncadd.s32 $0xFFFFF000  }
0x11: {  	[hbm4b:s8+s2] =	stream.linear.scatter [tilespmem:s15], [sflag:$0x1], $0x1000, $0x38;
	[tilespmem:$0xB800] =	vst v63  }
0x12: {  	s17 =	sadd.s32 $0x1, s17;
	_ =	swait.ge [sflag:s11], $0x1000  }
0x13: {  	p0 =	sne.s32 s17, s10;
	[sflag:s11] =	ssyncset.done $0x0  }
.Ltmp1:
0x14: {  	[sflag:s11] =	ssyncadd.s32 $0xFFFFF000;
	(pc) =	sbr.rel @!p0 .LBB2_16-.Ltmp1, $4  }
0x15: {  	[hbm4b:s9+s2] =	stream.linear.scatter [tilespmem:s16], [sflag:$0x1], $0x1000, $0x38;
	[tilespmem:$0xB800] =	vst v63  }
0x16: {  	_ =	swait.ge [sflag:s11], $0x1000  }
0x17: {  	[sflag:s11] =	ssyncset.done $0x0  }
0x18: {  	[sflag:s11] =	ssyncadd.s32 $0xFFFFF000  }
.LBB2_1:
0x19: {  	[tilespmem:s2], [sflag:$0x1] =	stream.linear.gather [hbm4b:s3+s2], $0x2000, $0x38;
	[tilespmem:$0xB800] =	vst v63  }
0x1a: {  	_ =	swait.ge [sflag:s11], $0x2000  }
0x1b: {  	[sflag:s11] =	ssyncset.done $0x0  }
0x1c: {  	[sflag:s11] =	ssyncadd.s32 $0xFFFFE000  }
0x1d: {  	[tilespmem:s12], [sflag:$0x1] =	stream.linear.gather [hbm4b:s4+s2], $0x2000, $0x38;
	[tilespmem:$0xB800] =	vst v63  }
0x1e: {  	_ =	swait.ge [sflag:s11], $0x2000  }
0x1f: {  	[sflag:s11] =	ssyncset.done $0x0  }
.Ltmp2:
0x20: {  	[sflag:s11] =	ssyncadd.s32 $0xFFFFE000;
	(pc) =	sbr.rel .LBB2_2-.Ltmp2, $4  }
0x21: {  	[tilespmem:s13], [sflag:$0x1] =	stream.linear.gather [hbm4b:s5+s2], $0x2000, $0x38;
	[tilespmem:$0xB800] =	vst v63  }
0x22: {  	_ =	swait.ge [sflag:s11], $0x2000  }
0x23: {  	[sflag:s11] =	ssyncset.done $0x0  }
0x24: {  	s18 =	simm.s32 $0x0;
	[sflag:s11] =	ssyncadd.s32 $0xFFFFE000  }
.LBB2_8:
0x25: {  	_ = 	snop  }
.LBB2_13:
0x26: {  	v6, v7, _ =	vpop @p0 (xrf1)  }
0x27: {  	v6 =	vperm.xlane @p0 v6, v1;
	v8, v9, _ =	vpop @p1 (xrf1)  }
0x28: {  	v7 =	vperm.xlane @p0 v7, v1;
	v8 =	vpsel p1, v8, v3  }
0x29: {  	v9 =	vpsel p1, v9, v2;
	vm0 =	vle.f32 @p0 v8, v6  }
0x2a: {  	(xrf1) =	vsort.ascd.msk.f32 $0xffff, v4, v5;
	v4 =	vsel @p0 vm0, v8, v6;
	v5 =	vsel @p0 vm0, v9, v7  }
0x2b: {  	(xrf1) =	vsort.ascd.msk.f32 @p0 $0xffff, v4, v5;
	_ =	sdelay $0xc  }
0x2c: {  	v4, v5, _ =	vpop (xrf1)  }
0x2d: {  	v4 =	vperm.xlane v4, v1;
	v6, v7, _ =	vpop @p0 (xrf1)  }
0x2e: {  	v5 =	vperm.xlane v5, v1;
	v3 =	vpsel p0, v6, v3  }
0x2f: {  	v2 =	vpsel p0, v7, v2;
	vm15 =	vle.f32 v3, v4  }
0x30: {  	v3 =	vsel vm15, v3, v4;
	v2 =	vsel vm15, v2, v5  }
0x31: {  	(xrf1) =	vsort.ascd.msk.f32 $0xffff, v3, v2;
	_ =	sdelay $0xd  }
0x32: {  	v3, v2, _ =	vpop (xrf1)  }
.LBB2_14:
0x33: {  	_ =	sdelay $0x3  }
0x34: {  	v3 =	vld.idx.msk [tilespmem:v2+s2+$0x0], $0xffff;
	_ =	sdelay $0x3  }
0x35: {  	s19 =	sshll.u32 s18, $0x4  }
0x36: {  	[tilespmem:s19+$0x8800] =	vst v3  }
0x37: {  	v3 =	vld.idx.msk [tilespmem:v2+s12+$0x0], $0xffff;
	_ =	sdelay $0x4  }
0x38: {  	s18 =	sadd.s32 $0x1, s18;
	[tilespmem:s19+$0x9800] =	vst v3  }
0x39: {  	p0 =	sne.s32 s18, $0x100;
	v2 =	vld.idx.msk [tilespmem:v2+s13+$0x0], $0xffff  }
.Ltmp3:
0x3a: {  	_ = 	snop;
	(pc) =	sbr.rel @!p0 .LBB2_15-.Ltmp3, $2  }
0x3b: {  	_ =	sdelay $0x2  }
0x3c: {  	[tilespmem:s19+$0xA800] =	vst v2  }
.LBB2_2:
0x3d: {  	s19 =	sadd.s32 s6, s18  }
0x3e: {  	v2 =	vmov s19  }
0x3f: {  	s19 =	simm.s32 $0x0  }
0x40: {  	v6 =	vld [tilespmem:s19+$0x0]  }
0x41: {  	v7 =	vld [tilespmem:s19+$0x2000]  }
0x42: {  	s31 =	simm.s32 $0x0;
	v8 =	vld [tilespmem:s19+$0x4000]  }
0x43: {  	v3 =	vld.idx.msk [tilespmem:v2+s31+$0x0], $0xffff  }
0x44: {  	v4 =	vld.idx.msk [tilespmem:v2+s12+$0x0], $0xffff  }
0x45: {  	v5 =	vld.idx.msk [tilespmem:v2+s13+$0x0], $0xffff;
	_ =	sdelay $0x2  }
0x46: {  	s20 =	simm.s32 $0x10  }
0x47: {  	v6 =	vsub.f32 v6, v3;
	v9 =	vsub.f32 v7, v4;
	v7 =	vld [tilespmem:s20+$0x0]  }
0x48: {  	v11 =	vsub.f32 v8, v5;
	v8 =	vld [tilespmem:s20+$0x2000]  }
0x49: {  	v10 =	vmul.f32 v6, v6;
	v12 =	vmul.f32 v9, v9;
	v9 =	vld [tilespmem:s20+$0x4000];
	_ =	sdelay $0x1  }
0x4a: {  	s21 =	simm.s32 $0x80;
	v6 =	vimm.f32 $+Inf;
	v11 =	vmul.f32 v11, v11;
	v10 =	vadd.f32 v12, v10  }
.LBB2_3:
0x4b: {  	s22 =	sshra.s32 s21, $0x2;
	v12 =	vsub.f32 v7, v3;
	p0 =	sne.s32 s21, $0x7FC0  }
.Ltmp4:
0x4c: {  	s21 =	sadd.s32 $0x40, s21;
	v7 =	vld [tilespmem:s22+$0x0];
	v13 =	vsub.f32 v8, v4;
	v10 =	vadd.f32 v11, v10;
	(pc) =	sbr.rel @p0 .LBB2_3-.Ltmp4, $3  }
0x4d: {  	v8 =	vld [tilespmem:s22+$0x2000];
	v11 =	vsub.f32 v9, v5  }
0x4e: {  	v12 =	vmul.f32 v12, v12;
	v9 =	vld [tilespmem:s22+$0x4000];
	v13 =	vmul.f32 v13, v13;
	[tilespmem:s19+$0x6000] =	vst v10;
	v6 =	vmin.f32 v6, v10;
	s19 =	smov.u32 s20;
	s20 =	smov.u32 s22;
	_ =	sdelay $0x1  }
0x4f: {  	v11 =	vmul.f32 v11, v11;
	v10 =	vadd.f32 v13, v12  }
0x50: {  	_ = 	snop  }
0x51: {  	v3 =	vsub.f32 v7, v3;
	v4 =	vsub.f32 v8, v4;
	_ =	sdelay $0x1  }
0x52: {  	v5 =	vsub.f32 v9, v5;
	v3 =	vmul.f32 v3, v3;
	v4 =	vmul.f32 v4, v4;
	_ =	sdelay $0x1  }
0x53: {  	v3 =	vadd.f32 v4, v3;
	v4 =	vmul.f32 v5, v5  }
0x54: {  	v5 =	vadd.f32 v11, v10  }
0x55: {  	v3 =	vadd.f32 v4, v3  }
0x56: {  	v4 =	vmin.f32 v6, v5  }
0x57: {  	v4 =	vmin.f32 v4, v3  }
0x58: {  	(xrf0) =	vmax.scan.msk.f32 $0xffff, v4;
	_ =	sdelay $0x1  }
0x59: {  	[tilespmem:s19+$0x6000] =	vst v5  }
0x5a: {  	s31 =	simm.s32 $0x6000;
	[tilespmem:s20+$0x6000] =	vst v3  }
0x5b: {  	v3 =	vld [tilespmem:s31+$0x0];
	_ =	sdelay $0x1  }
0x5c: {  	v4, _, _ =	vpop (xrf0)  }
0x5d: {  	v4 =	vbroadcast v4, $0xF;
	_ =	sdelay $0x1  }
0x5e: {  	vm0 =	vle.f32 v3, v4  }
0x5f: {  	v5 =	vmpcnt.ones.xlane vm0;
	_ =	sdelay $0x1  }
0x60: {  	v5 =	vxor.u32 $0x80000000, v5  }
0x61: {  	(xrf0) =	vmax.scan.msk.u32 $0xffff, v5;
	_ =	sdelay $0x5  }
0x62: {  	v5, _, _ =	vpop (xrf0)  }
0x63: {  	s20 =	simm.s32 $0x0;
	(v2sf) =	vpush v5, $0xF  }
0x64: {  	[tilespmem:s20+$0x8000] =	vst.msk vm0, v3;
	v3 =	vor.u32 s20, v0  }
0x65: {  	s21 =	simm.s32 $0x6010;
	[tilespmem:s20+$0x8400] =	vst.msk vm0, v3  }
0x66: {  	s22 =	simm.s32 $0x20;
	s19 =	simm.s32 $0x10;
	v3 =	vld [tilespmem:s21+$0x0]  }
.LBB2_5:
0x67: {  	p0 =	sne.s32 s22, $0x1FF0;
	_ =	sdelay $0x3  }
0x68: {  	vm0 =	vle.f32 v3, v4  }
0x69: {  	v5 =	vmpcnt.ones.xlane vm0;
	_ =	sdelay $0x1  }
0x6a: {  	v5 =	vxor.u32 $0x80000000, v5  }
0x6b: {  	(xrf0) =	vmax.scan.msk.u32 $0xffff, v5;
	_ =	sdelay $0x2  }
0x6c: {  	s23 =	spop (v2sf)  }
0x6d: {  	s20 =	sadd.s32 s23, s20  }
0x6e: {  	s20 =	sadd.s32 $0x80000000, s20  }
.Ltmp5:
0x6f: {  	v5, _, _ =	vpop (xrf0);
	p1 =	slt.s32 s20, $0x3F0;
	(pc) =	sbr.rel @p0 .LBB2_5-.Ltmp5, $4  }
0x70: {  	(v2sf) =	vpush v5, $0xF;
	s20 =	simm.s32 @!p1 $0x3F0  }
0x71: {  	[tilespmem:s20+$0x8000] =	vst.msk vm0, v3;
	v3 =	vor.u32 s19, v0;
	s19 =	smov.u32 s22  }
0x72: {  	s21 =	sadd.s32 $0x10, s21;
	[tilespmem:s20+$0x8400] =	vst.msk vm0, v3  }
0x73: {  	s22 =	sadd.s32 $0x10, s22;
	v3 =	vld [tilespmem:s21+$0x0]  }
0x74: {  	_ =	sdelay $0x3  }
0x75: {  	vm0 =	vle.f32 v3, v4  }
0x76: {  	v4 =	vmpcnt.ones.xlane vm0;
	_ =	sdelay $0x1  }
0x77: {  	v4 =	vxor.u32 $0x80000000, v4  }
0x78: {  	(xrf0) =	vmax.scan.msk.u32 $0xffff, v4;
	_ =	sdelay $0x5  }
0x79: {  	v4, _, _ =	vpop (xrf0)  }
0x7a: {  	(v2sf) =	vpush v4, $0xF;
	_ =	sdelay $0xa  }
0x7b: {  	s21 =	spop (v2sf)  }
0x7c: {  	s20 =	sadd.s32 s21, s20  }
0x7d: {  	s20 =	sadd.s32 $0x80000000, s20  }
0x7e: {  	p0 =	slt.s32 s20, $0x3F0  }
0x7f: {  	s20 =	simm.s32 @!p0 $0x3F0;
	s29 =	spop (v2sf)  }
0x80: {  	s21 =	sadd.s32 s29, s20  }
0x81: {  	s21 =	sadd.s32 $0x80000000, s21  }
0x82: {  	p0 =	slt.s32 s21, $0x3F0  }
0x83: {  	p1 =	slt.s32 s21, $0xFFFFFFF2;
	s21 =	simm.s32 @!p0 $0x3F0  }
0x84: {  	s22 =	sadd.s32 $0xF, s21  }
0x85: {  	s23 =	sand.u32 $0xF, s22  }
0x86: {  	s30 =	sshra.s32 s22, $0x1F;
	p6 =	sne.s32 s23, $0x0  }
0x87: {  	s23 =	sshrl.u32 s30, $0x1C;
	p0 =	por !p1, !p6  }
0x88: {  	s22 =	sadd.s32 s23, s22;
	s23 =	simm.s32 $0x1;
	p0 =	por !p0, !p0  }
0x89: {  	s31 =	sshra.s32 s22, $0x4;
	s23 =	simm.s32 @!p0 $0x0  }
0x8a: {  	v4 =	vor.u32 s19, v0;
	s19 =	ssub.s32 s31, s23  }
0x8b: {  	p0 =	slt.s32 s19, $0x1  }
.Ltmp6:
0x8c: {  	_ = 	snop;
	(pc) =	sbr.rel @p0 .LBB2_14-.Ltmp6, $4  }
0x8d: {  	[tilespmem:s20+$0x8000] =	vst.msk vm0, v3  }
0x8e: {  	v3 =	vimm.f32 $+Inf;
	[tilespmem:s20+$0x8400] =	vst.msk vm0, v4  }
0x8f: {  	[tilespmem:s21+$0x8000] =	vst v3  }
0x90: {  	[tilespmem:s21+$0x8400] =	vst v2;
	v2 =	vimm.s32 $0x0  }
0x91: {  	p2 =	sne.s32 s19, $0x1  }
.Ltmp7:
0x92: {  	_ = 	snop;
	(pc) =	sbr.rel @!p2 .LBB2_8-.Ltmp7, $4  }
0x93: {  	_ = 	snop  }
0x94: {  	s20 =	simm.s32 $0x8000  }
0x95: {  	s21 =	simm.s32 $0x8400;
	v4 =	vld [tilespmem:s20+$0x0]  }
0x96: {  	s19 =	sadd.s32 $0xFFFFFFFF, s19;
	p0 =	por $0x0, $0x0;
	p1 =	por $0x0, $0x0;
	v5 =	vld [tilespmem:s21+$0x0]  }
0x97: {  	_ =	sdelay $0x3  }
0x98: {  	(xrf1) =	vsort.ascd.msk.f32 $0xffff, v4, v5;
	_ =	sdelay $0x7  }
0x99: {  	p2 =	sne.s32 s19, $0x1  }
.Ltmp8:
0x9a: {  	_ = 	snop;
	(pc) =	sbr.rel @!p2 .LBB2_10-.Ltmp8, $4  }
0x9b: {  	_ = 	snop  }
0x9c: {  	s20 =	simm.s32 $0x8010  }
0x9d: {  	s31 =	simm.s32 $0x8410;
	v4 =	vld [tilespmem:s20+$0x0]  }
0x9e: {  	s21 =	sadd.s32 $0xFFFFFFFF, s19;
	p0 =	por $0x1, $0x1;
	v5 =	vld [tilespmem:s31+$0x0]  }
0x9f: {  	v6, v7, _ =	vpop (xrf1)  }
0xa0: {  	v6 =	vperm.xlane v6, v1  }
0xa1: {  	v7 =	vperm.xlane v7, v1  }
0xa2: {  	vm0 =	vle.f32 v3, v6  }
0xa3: {  	(xrf1) =	vsort.ascd.msk.f32 $0xffff, v4, v5;
	v5 =	vsel vm0, v3, v6;
	v6 =	vsel vm0, v2, v7  }
0xa4: {  	(xrf1) =	vsort.ascd.msk.f32 $0xffff, v5, v6;
	_ =	sdelay $0x6  }
0xa5: {  	p2 =	sne.s32 s21, $0x1  }
.Ltmp9:
0xa6: {  	_ = 	snop;
	(pc) =	sbr.rel @!p2 .LBB2_13-.Ltmp9, $4  }
0xa7: {  	_ = 	snop  }
0xa8: {  	s19 =	simm.s32 $0x8020  }
0xa9: {  	s20 =	simm.s32 $0x8420;
	v4 =	vld [tilespmem:s19+$0x0]  }
0xaa: {  	s21 =	sadd.s32 $0xFFFFFFFF, s21;
	p1 =	por $0x1, $0x1;
	v5 =	vld [tilespmem:s20+$0x0]  }
.LBB2_12:
0xab: {  	p2 =	sne.s32 s21, $0x1  }
0xac: {  	v6, v7, _ =	vpop (xrf1)  }
0xad: {  	v6 =	vperm.xlane v6, v1  }
0xae: {  	v7 =	vperm.xlane v7, v1;
	v8, v9, _ =	vpop (xrf1)  }
0xaf: {  	(xrf1) =	vsort.ascd.msk.f32 $0xffff, v4, v5;
	vm0 =	vle.f32 v8, v6  }
0xb0: {  	v4 =	vsel vm0, v8, v6;
	v5 =	vsel vm0, v9, v7  }
0xb1: {  	(xrf1) =	vsort.ascd.msk.f32 $0xffff, v4, v5;
	_ =	sdelay $0x5  }
.Ltmp10:
0xb2: {  	(pc) =	sbr.rel @p2 .LBB2_12-.Ltmp10, $4  }
0xb3: {  	_ = 	snop  }
0xb4: {  	s19 =	sadd.s32 $0x10, s19  }
0xb5: {  	s20 =	sadd.s32 $0x10, s20;
	v4 =	vld [tilespmem:s19+$0x0]  }
0xb6: {  	s21 =	sadd.s32 $0xFFFFFFFF, s21;
	v5 =	vld [tilespmem:s20+$0x0]  }
.Ltmp11:
0xb7: {  	_ = 	snop;
	(pc) =	sbr.rel .LBB2_13-.Ltmp11, $1  }
0xb8: {  	_ =	sdelay $0x3  }
.LBB2_10:
.Ltmp12:
0xb9: {  	(pc) =	sbr.rel .LBB2_13-.Ltmp12, $2  }
0xba: {  	_ =	sdelay $0x2  }
0xbb: {  	_ = 	snop  }
.LBB2_16:
0xbc: {  	_ =	sfence.sel $0x180000  }
0xbd: {  	[bflag:$0x0] =	sbarrier.arrive $0xFFFF  }
0xbe: {  	p0 =	sne.s32 s1, $0x0;
	_ =	strace $0x90000047  }
0xbf: {  	s0 =	sadd.s32 @!p0 $0x100000, s0;
	[bflag:$0x2] =	sbarrier.arrive $0xFFFF  }
0xc0: {  	[sflag:s0] =	ssyncadd.tile.s32 @!p0 $0x1;
	_ =	shalt  }
.Lfunc_end2:
_tile_overlayer_lowered:
.L_overlay_start_2:
0xc1: {  	(tag) =	ssettag $0x2  }
0xc2: {  	s0 =	rddreg [dreg:$0x0];
	s2 =	stileid.u32  }
0xc3: {  	s1 =	rddreg [dreg:$0x1];
	p0 =	sne.s32 s2, $0x0  }
0xc4: {  	s3 =	rddreg [dreg:$0x2];
	[bflag:$0x3] =	sbarrier.arrive $0xFFFF;
	s2 =	simm.s32 @!p0 $0x1C01  }
0xc5: {  	[timem:s3], [sflag:s2] =	dma.local @!p0 [hbm:s0], s1  }
0xc6: {  	s0 =	simm.s32 @!p0 $0x1  }
0xc7: {  	_ =	swait.ge @!p0 [sflag:s0], s1  }
0xc8: {  	s1 =	ssub.s32 @!p0 $0x0, s1;
	[sflag:s0] =	ssyncset.done @!p0 $0x0  }
0xc9: {  	[sflag:s0] =	ssyncadd.s32 @!p0 s1  }
0xca: {  	[bflag:$0x3] =	sbarrier.arrive $0xFFFF  }
0xcb: {  	_ =	shalt  }

</sc_bundles>
